<compile_context>
chip_gen: v7x
topology: tpu7x:2x2x1
jax: 0.10.2.dev20260603
libtpu: 0.0.44.dev20260713+nightly
codegen_flags: <defaults>
</compile_context>

<pallas_src>
import functools

import jax
import jax.numpy as jnp
from jax import lax
from jax.experimental import pallas as pl
from jax.experimental.pallas import tpu as pltpu
from jax.experimental.pallas import tpu_sc as plsc

_NC = 2
_NS = 16
_NW = _NC * _NS
_NSLOT = 2


@functools.lru_cache(maxsize=None)
def _sc_edge_diff(E, N, D):
    epw = E // _NW
    C = 40
    n_chunks = epw // C
    stripe = (N // _NS) // 8 * 8
    last_stripe = N - (_NS - 1) * stripe

    mesh = plsc.VectorSubcoreMesh(core_axis_name="c", subcore_axis_name="s")

    @functools.partial(
        pl.kernel,
        mesh=mesh,
        out_type=jax.ShapeDtypeStruct((E, D), jnp.float32),
        scratch_types=[
            pltpu.VMEM((epw,), jnp.int32),
            pltpu.VMEM((epw,), jnp.int32),
            pltpu.VMEM((_NSLOT, C, D), jnp.float32),
            pltpu.VMEM((_NSLOT, C, D), jnp.float32),
            pltpu.VMEM((_NSLOT, C, D), jnp.float32),
            pltpu.VMEM_SHARED((N, D), jnp.float32),
            pltpu.SemaphoreType.DMA,
            pltpu.SemaphoreType.DMA,
        ] + [pltpu.SemaphoreType.DMA] * (3 * _NSLOT),
    )
    def k(x_hbm, src_hbm, dst_hbm, out_hbm,
          idx_s, idx_d, rows_s, rows_d, diff, x_sp, sem_is, sem_id, *sems):
        sem_gs = sems[0:_NSLOT]
        sem_gd = sems[_NSLOT:2 * _NSLOT]
        sem_o = sems[2 * _NSLOT:3 * _NSLOT]

        wid = lax.axis_index("s") * _NC + lax.axis_index("c")
        base = wid * epw

        cp_is = pltpu.async_copy(src_hbm.at[pl.ds(base, epw)], idx_s, sem_is)
        cp_id = pltpu.async_copy(dst_hbm.at[pl.ds(base, epw)], idx_d, sem_id)

        sid = lax.axis_index("s")

        @pl.when(sid < _NS - 1)
        def _():
            pltpu.sync_copy(x_hbm.at[pl.ds(sid * stripe, stripe)],
                            x_sp.at[pl.ds(sid * stripe, stripe)])

        @pl.when(sid == _NS - 1)
        def _():
            pltpu.sync_copy(x_hbm.at[pl.ds((_NS - 1) * stripe, last_stripe)],
                            x_sp.at[pl.ds((_NS - 1) * stripe, last_stripe)])

        plsc.subcore_barrier()

        cp_is.wait()
        cp_id.wait()

        def issue_gathers(c, b):
            pltpu.async_copy(
                x_sp.at[idx_s.at[pl.ds(c * C, C)]], rows_s.at[b], sem_gs[b])
            pltpu.async_copy(
                x_sp.at[idx_d.at[pl.ds(c * C, C)]], rows_d.at[b], sem_gd[b])

        def wait_gathers(b):
            pltpu.make_async_copy(
                x_sp.at[idx_s.at[pl.ds(0, C)]], rows_s.at[b], sem_gs[b]).wait()
            pltpu.make_async_copy(
                x_sp.at[idx_d.at[pl.ds(0, C)]], rows_d.at[b], sem_gd[b]).wait()

        def issue_write(c, b):
            pltpu.async_copy(
                diff.at[b], out_hbm.at[pl.ds(base + c * C, C)], sem_o[b])

        def wait_write(b):
            pltpu.make_async_copy(
                diff.at[b], out_hbm.at[pl.ds(base, C)], sem_o[b]).wait()

        def compute(b):
            RU = 4

            def row_body(r, rcarry):
                for rr in range(RU):
                    row = r * RU + rr
                    for v in range(D // 16):
                        sl = pl.ds(v * 16, 16)
                        diff[b, row, sl] = rows_d[b, row, sl] - rows_s[b, row, sl]
                return rcarry
            lax.fori_loop(0, C // RU, row_body, 0)

        def stage(c, b):
            wait_gathers(b)

            @pl.when(c >= _NSLOT)
            def _():
                wait_write(b)

            compute(b)
            issue_write(c, b)

            @pl.when(c + _NSLOT < n_chunks)
            def _():
                issue_gathers(c + _NSLOT, b)

        for b in range(min(_NSLOT, n_chunks)):
            issue_gathers(b, b)

        n_pipe = n_chunks - (n_chunks % _NSLOT)

        def body(i, carry):
            for b in range(_NSLOT):
                stage(i * _NSLOT + b, b)
            return carry

        lax.fori_loop(0, n_pipe // _NSLOT, body, 0)
        for c in range(n_pipe, n_chunks):
            stage(c, c % _NSLOT)

        for b in range(min(_NSLOT, n_chunks)):
            wait_write(b)

    return k


def kernel(x, edge_index):
    N, D = x.shape
    E = edge_index.shape[1]
    src = edge_index[0]
    dst = edge_index[1]
    return _sc_edge_diff(E, N, D)(x, src, dst)

# --- scband reference (transcript-rebuilt; emitter-appended) ---
"""Pipeline reference for scband-gradient-layer-17729624998206 (READ-ONLY COPY).

The authoritative reference and input builder live on the scoring server;
editing this copy changes nothing except your own understanding.
"""

import jax, jax.numpy as jnp
import numpy as np

N_NODES = 10000
N_EDGES = 320000
D_FEAT = 128

def setup_inputs(seed: int = 0) -> dict:
    key = jax.random.key(seed)
    kx, ke = jax.random.split(key)
    x = jax.random.normal(kx, (N_NODES, D_FEAT), dtype=jnp.float32)
    edge_index = jax.random.randint(ke, (2, N_EDGES), 0, N_NODES, dtype=jnp.int64 if jax.config.jax_enable_x64 else jnp.int32)
    return {"x": x, "edge_index": edge_index}

def reference(x, edge_index):
    # GradientLayer with net=None: out = x_dst - x_src, pure gather + subtract
    x_src = jnp.take(x, edge_index[0], axis=0)
    x_dst = jnp.take(x, edge_index[1], axis=0)
    out = x_dst - x_src
    return out

if __name__ == "__main__":
    import jax
    _d = setup_inputs()
    print(jax.jit(kernel)(*tuple(_d.values())))

</pallas_src>

<mosaic_0001>
#map = affine_map<(d0, d1) -> (0, 0)>
#map1 = affine_map<(d0, d1) -> (0)>
module attributes {stable_mosaic.version = 14 : i64} {
  func.func @k(%arg0: i32, %arg1: i32, %arg2: memref<10000x128xf32, #tpu.memory_space<hbm>>, %arg3: memref<320000xi32, #tpu.memory_space<hbm>>, %arg4: memref<320000xi32, #tpu.memory_space<hbm>>, %arg5: memref<320000x128xf32, #tpu.memory_space<hbm>>, %arg6: memref<10000xi32, #tpu.memory_space<vmem>>, %arg7: memref<10000xi32, #tpu.memory_space<vmem>>, %arg8: memref<2x40x128xf32, #tpu.memory_space<vmem>>, %arg9: memref<2x40x128xf32, #tpu.memory_space<vmem>>, %arg10: memref<2x40x128xf32, #tpu.memory_space<vmem>>, %arg11: memref<10000x128xf32, #tpu.memory_space<vmem_shared>>, %arg12: memref<!tpu.dma_semaphore, #tpu.memory_space<semaphore_mem>>, %arg13: memref<!tpu.dma_semaphore, #tpu.memory_space<semaphore_mem>>, %arg14: memref<!tpu.dma_semaphore, #tpu.memory_space<semaphore_mem>>, %arg15: memref<!tpu.dma_semaphore, #tpu.memory_space<semaphore_mem>>, %arg16: memref<!tpu.dma_semaphore, #tpu.memory_space<semaphore_mem>>, %arg17: memref<!tpu.dma_semaphore, #tpu.memory_space<semaphore_mem>>, %arg18: memref<!tpu.dma_semaphore, #tpu.memory_space<semaphore_mem>>, %arg19: memref<!tpu.dma_semaphore, #tpu.memory_space<semaphore_mem>>) attributes {dimension_semantics = [#tpu.dimension_semantics<core_parallel>, #tpu.dimension_semantics<subcore_parallel>], iteration_bounds = array<i64: 2, 16>, scalar_prefetch = 0 : i64, scratch_operands = 14 : i64, tpu.core_type = #tpu.core_type<sc_vector_subcore>, window_params = [{transform_indices = #map}, {transform_indices = #map1}, {transform_indices = #map1}, {transform_indices = #map}]} {
    %mul3A = arith.constant 2 : i32
    %mul3A_0 = arith.muli %arg1, %mul3A : i32
    %add3A = arith.addi %mul3A_0, %arg0 : i32
    %mul3A_1 = arith.constant 10000 : i32
    %mul3A_2 = arith.muli %add3A, %mul3A_1 : i32
    %dma_start3A = tpu.memref_slice %arg3[%mul3A_2] : memref<320000xi32, #tpu.memory_space<hbm>> -> memref<10000xi32, #tpu.memory_space<hbm>>
    %dma_start3A_3 = tpu.memref_slice %arg3[%mul3A_2] : memref<320000xi32, #tpu.memory_space<hbm>> -> memref<10000xi32, #tpu.memory_space<hbm>>
    tpu.enqueue_dma source(%dma_start3A_3 : memref<10000xi32, #tpu.memory_space<hbm>>) target(%arg6 : memref<10000xi32, #tpu.memory_space<vmem>>) target_semaphore(%arg12 : memref<!tpu.dma_semaphore, #tpu.memory_space<semaphore_mem>>)
    %dma_start3A_4 = tpu.memref_slice %arg4[%mul3A_2] : memref<320000xi32, #tpu.memory_space<hbm>> -> memref<10000xi32, #tpu.memory_space<hbm>>
    %dma_start3A_5 = tpu.memref_slice %arg4[%mul3A_2] : memref<320000xi32, #tpu.memory_space<hbm>> -> memref<10000xi32, #tpu.memory_space<hbm>>
    tpu.enqueue_dma source(%dma_start3A_5 : memref<10000xi32, #tpu.memory_space<hbm>>) target(%arg7 : memref<10000xi32, #tpu.memory_space<vmem>>) target_semaphore(%arg13 : memref<!tpu.dma_semaphore, #tpu.memory_space<semaphore_mem>>)
    %lt3A = arith.constant 15 : i32
    %lt3A_6 = arith.cmpi slt, %arg1, %lt3A : i32
    %convert_element_type3A = arith.extui %lt3A_6 : i1 to i32
    %cond3A = arith.constant 0 : i32
    %cond3A_7 = arith.cmpi ne, %convert_element_type3A, %cond3A : i32
    scf.if %cond3A_7 {
      %mul3A_86 = arith.constant 624 : i32
      %mul3A_87 = arith.muli %arg1, %mul3A_86 : i32
      %mul3A_88 = arith.constant 624 : i32
      %mul3A_89 = arith.muli %arg1, %mul3A_88 : i32
      "tpu.region"() ({
        %run_scoped3A = tpu.sem_alloc : memref<!tpu.dma_semaphore, #tpu.memory_space<semaphore_mem>>
        %dma_start3A_90 = arith.constant 0 : i32
        %dma_start3A_91 = tpu.memref_slice %arg11[%mul3A_89, %dma_start3A_90] : memref<10000x128xf32, #tpu.memory_space<vmem_shared>> -> memref<624x128xf32, #tpu.memory_space<vmem_shared>>
        %dma_start3A_92 = arith.constant 0 : i32
        %dma_start3A_93 = tpu.memref_slice %arg2[%mul3A_87, %dma_start3A_92] : memref<10000x128xf32, #tpu.memory_space<hbm>> -> memref<624x128xf32, #tpu.memory_space<hbm>>
        tpu.enqueue_dma source(%dma_start3A_93 : memref<624x128xf32, #tpu.memory_space<hbm>>) target(%dma_start3A_91 : memref<624x128xf32, #tpu.memory_space<vmem_shared>>) target_semaphore(%run_scoped3A : memref<!tpu.dma_semaphore, #tpu.memory_space<semaphore_mem>>)
        %dma_wait3A_94 = arith.constant 0 : i32
        %dma_wait3A_95 = tpu.memref_slice %arg11[%mul3A_89, %dma_wait3A_94] : memref<10000x128xf32, #tpu.memory_space<vmem_shared>> -> memref<624x128xf32, #tpu.memory_space<vmem_shared>>
        %dma_wait3A_96 = arith.constant 0 : i32
        %dma_wait3A_97 = tpu.memref_slice %arg2[%mul3A_87, %dma_wait3A_96] : memref<10000x128xf32, #tpu.memory_space<hbm>> -> memref<624x128xf32, #tpu.memory_space<hbm>>
        tpu.wait_dma2 semaphore(%run_scoped3A : memref<!tpu.dma_semaphore, #tpu.memory_space<semaphore_mem>>) src(%dma_wait3A_97 : memref<624x128xf32, #tpu.memory_space<hbm>>) dst(%dma_wait3A_95 : memref<624x128xf32, #tpu.memory_space<vmem_shared>>)
        tpu.yield
      }) : () -> ()
    } else {
    }
    %eq3A = arith.constant 15 : i32
    %eq3A_8 = arith.cmpi eq, %arg1, %eq3A : i32
    %convert_element_type3A_9 = arith.extui %eq3A_8 : i1 to i32
    %cond3A_10 = arith.constant 0 : i32
    %cond3A_11 = arith.cmpi ne, %convert_element_type3A_9, %cond3A_10 : i32
    scf.if %cond3A_11 {
      "tpu.region"() ({
        %run_scoped3A = tpu.sem_alloc : memref<!tpu.dma_semaphore, #tpu.memory_space<semaphore_mem>>
        %dma_start3A_86 = arith.constant 9360 : i32
        %dma_start3A_87 = arith.constant 0 : i32
        %dma_start3A_88 = tpu.memref_slice %arg11[%dma_start3A_86, %dma_start3A_87] : memref<10000x128xf32, #tpu.memory_space<vmem_shared>> -> memref<640x128xf32, #tpu.memory_space<vmem_shared>>
        %dma_start3A_89 = arith.constant 9360 : i32
        %dma_start3A_90 = arith.constant 0 : i32
        %dma_start3A_91 = tpu.memref_slice %arg2[%dma_start3A_89, %dma_start3A_90] : memref<10000x128xf32, #tpu.memory_space<hbm>> -> memref<640x128xf32, #tpu.memory_space<hbm>>
        tpu.enqueue_dma source(%dma_start3A_91 : memref<640x128xf32, #tpu.memory_space<hbm>>) target(%dma_start3A_88 : memref<640x128xf32, #tpu.memory_space<vmem_shared>>) target_semaphore(%run_scoped3A : memref<!tpu.dma_semaphore, #tpu.memory_space<semaphore_mem>>)
        %dma_wait3A_92 = arith.constant 9360 : i32
        %dma_wait3A_93 = arith.constant 0 : i32
        %dma_wait3A_94 = tpu.memref_slice %arg11[%dma_wait3A_92, %dma_wait3A_93] : memref<10000x128xf32, #tpu.memory_space<vmem_shared>> -> memref<640x128xf32, #tpu.memory_space<vmem_shared>>
        %dma_wait3A_95 = arith.constant 9360 : i32
        %dma_wait3A_96 = arith.constant 0 : i32
        %dma_wait3A_97 = tpu.memref_slice %arg2[%dma_wait3A_95, %dma_wait3A_96] : memref<10000x128xf32, #tpu.memory_space<hbm>> -> memref<640x128xf32, #tpu.memory_space<hbm>>
        tpu.wait_dma2 semaphore(%run_scoped3A : memref<!tpu.dma_semaphore, #tpu.memory_space<semaphore_mem>>) src(%dma_wait3A_97 : memref<640x128xf32, #tpu.memory_space<hbm>>) dst(%dma_wait3A_94 : memref<640x128xf32, #tpu.memory_space<vmem_shared>>)
        tpu.yield
      }) : () -> ()
    } else {
    }
    %barrier3A = arith.constant 0 : index
    tpu.barrier barrier_id(%barrier3A)
    %dma_wait3A = tpu.memref_slice %arg3[%mul3A_2] : memref<320000xi32, #tpu.memory_space<hbm>> -> memref<10000xi32, #tpu.memory_space<hbm>>
    %dma_wait3A_12 = tpu.memref_slice %arg3[%mul3A_2] : memref<320000xi32, #tpu.memory_space<hbm>> -> memref<10000xi32, #tpu.memory_space<hbm>>
    tpu.wait_dma2 semaphore(%arg12 : memref<!tpu.dma_semaphore, #tpu.memory_space<semaphore_mem>>) src(%dma_wait3A_12 : memref<10000xi32, #tpu.memory_space<hbm>>) dst(%arg6 : memref<10000xi32, #tpu.memory_space<vmem>>)
    %dma_wait3A_13 = tpu.memref_slice %arg4[%mul3A_2] : memref<320000xi32, #tpu.memory_space<hbm>> -> memref<10000xi32, #tpu.memory_space<hbm>>
    %dma_wait3A_14 = tpu.memref_slice %arg4[%mul3A_2] : memref<320000xi32, #tpu.memory_space<hbm>> -> memref<10000xi32, #tpu.memory_space<hbm>>
    tpu.wait_dma2 semaphore(%arg13 : memref<!tpu.dma_semaphore, #tpu.memory_space<semaphore_mem>>) src(%dma_wait3A_14 : memref<10000xi32, #tpu.memory_space<hbm>>) dst(%arg7 : memref<10000xi32, #tpu.memory_space<vmem>>)
    %dma_start3A_15 = arith.constant 0 : i32
    %dma_start3A_16 = arith.constant 0 : i32
    %dma_start3A_17 = arith.constant 0 : i32
    %dma_start3A_18 = tpu.memref_slice %arg8[%dma_start3A_15, %dma_start3A_16, %dma_start3A_17] : memref<2x40x128xf32, #tpu.memory_space<vmem>> -> memref<1x40x128xf32, #tpu.memory_space<vmem>>
    %dma_start3A_19 = tpu.memref_squeeze %dma_start3A_18 : memref<1x40x128xf32, #tpu.memory_space<vmem>> -> memref<40x128xf32, #tpu.memory_space<vmem>>
    %dma_start3A_20 = arith.constant 0 : i32
    %dma_start3A_21 = tpu.memref_slice %arg6[%dma_start3A_20] : memref<10000xi32, #tpu.memory_space<vmem>> -> memref<40xi32, #tpu.memory_space<vmem>>
    %dma_start3A_22 = arith.constant 0 : i32
    %dma_start3A_23 = arith.constant 0 : i32
    %dma_start3A_24 = tpu.memref_slice %arg11[%dma_start3A_22, %dma_start3A_23] : memref<10000x128xf32, #tpu.memory_space<vmem_shared>> -> memref<10000x128xf32, #tpu.memory_space<vmem_shared>>
    tpu.enqueue_indirect_dma source(%dma_start3A_24 : memref<10000x128xf32, #tpu.memory_space<vmem_shared>>) target(%dma_start3A_19 : memref<40x128xf32, #tpu.memory_space<vmem>>) offsets(%dma_start3A_21 : memref<40xi32, #tpu.memory_space<vmem>>) semaphore(%arg14 : memref<!tpu.dma_semaphore, #tpu.memory_space<semaphore_mem>>)
    %dma_start3A_25 = arith.constant 0 : i32
    %dma_start3A_26 = arith.constant 0 : i32
    %dma_start3A_27 = arith.constant 0 : i32
    %dma_start3A_28 = tpu.memref_slice %arg9[%dma_start3A_25, %dma_start3A_26, %dma_start3A_27] : memref<2x40x128xf32, #tpu.memory_space<vmem>> -> memref<1x40x128xf32, #tpu.memory_space<vmem>>
    %dma_start3A_29 = tpu.memref_squeeze %dma_start3A_28 : memref<1x40x128xf32, #tpu.memory_space<vmem>> -> memref<40x128xf32, #tpu.memory_space<vmem>>
    %dma_start3A_30 = arith.constant 0 : i32
    %dma_start3A_31 = tpu.memref_slice %arg7[%dma_start3A_30] : memref<10000xi32, #tpu.memory_space<vmem>> -> memref<40xi32, #tpu.memory_space<vmem>>
    %dma_start3A_32 = arith.constant 0 : i32
    %dma_start3A_33 = arith.constant 0 : i32
    %dma_start3A_34 = tpu.memref_slice %arg11[%dma_start3A_32, %dma_start3A_33] : memref<10000x128xf32, #tpu.memory_space<vmem_shared>> -> memref<10000x128xf32, #tpu.memory_space<vmem_shared>>
    tpu.enqueue_indirect_dma source(%dma_start3A_34 : memref<10000x128xf32, #tpu.memory_space<vmem_shared>>) target(%dma_start3A_29 : memref<40x128xf32, #tpu.memory_space<vmem>>) offsets(%dma_start3A_31 : memref<40xi32, #tpu.memory_space<vmem>>) semaphore(%arg16 : memref<!tpu.dma_semaphore, #tpu.memory_space<semaphore_mem>>)
    %dma_start3A_35 = arith.constant 1 : i32
    %dma_start3A_36 = arith.constant 0 : i32
    %dma_start3A_37 = arith.constant 0 : i32
    %dma_start3A_38 = tpu.memref_slice %arg8[%dma_start3A_35, %dma_start3A_36, %dma_start3A_37] : memref<2x40x128xf32, #tpu.memory_space<vmem>> -> memref<1x40x128xf32, #tpu.memory_space<vmem>>
    %dma_start3A_39 = tpu.memref_squeeze %dma_start3A_38 : memref<1x40x128xf32, #tpu.memory_space<vmem>> -> memref<40x128xf32, #tpu.memory_space<vmem>>
    %dma_start3A_40 = arith.constant 40 : i32
    %dma_start3A_41 = tpu.memref_slice %arg6[%dma_start3A_40] : memref<10000xi32, #tpu.memory_space<vmem>> -> memref<40xi32, #tpu.memory_space<vmem>>
    %dma_start3A_42 = arith.constant 0 : i32
    %dma_start3A_43 = arith.constant 0 : i32
    %dma_start3A_44 = tpu.memref_slice %arg11[%dma_start3A_42, %dma_start3A_43] : memref<10000x128xf32, #tpu.memory_space<vmem_shared>> -> memref<10000x128xf32, #tpu.memory_space<vmem_shared>>
    tpu.enqueue_indirect_dma source(%dma_start3A_44 : memref<10000x128xf32, #tpu.memory_space<vmem_shared>>) target(%dma_start3A_39 : memref<40x128xf32, #tpu.memory_space<vmem>>) offsets(%dma_start3A_41 : memref<40xi32, #tpu.memory_space<vmem>>) semaphore(%arg15 : memref<!tpu.dma_semaphore, #tpu.memory_space<semaphore_mem>>)
    %dma_start3A_45 = arith.constant 1 : i32
    %dma_start3A_46 = arith.constant 0 : i32
    %dma_start3A_47 = arith.constant 0 : i32
    %dma_start3A_48 = tpu.memref_slice %arg9[%dma_start3A_45, %dma_start3A_46, %dma_start3A_47] : memref<2x40x128xf32, #tpu.memory_space<vmem>> -> memref<1x40x128xf32, #tpu.memory_space<vmem>>
    %dma_start3A_49 = tpu.memref_squeeze %dma_start3A_48 : memref<1x40x128xf32, #tpu.memory_space<vmem>> -> memref<40x128xf32, #tpu.memory_space<vmem>>
    %dma_start3A_50 = arith.constant 40 : i32
    %dma_start3A_51 = tpu.memref_slice %arg7[%dma_start3A_50] : memref<10000xi32, #tpu.memory_space<vmem>> -> memref<40xi32, #tpu.memory_space<vmem>>
    %dma_start3A_52 = arith.constant 0 : i32
    %dma_start3A_53 = arith.constant 0 : i32
    %dma_start3A_54 = tpu.memref_slice %arg11[%dma_start3A_52, %dma_start3A_53] : memref<10000x128xf32, #tpu.memory_space<vmem_shared>> -> memref<10000x128xf32, #tpu.memory_space<vmem_shared>>
    tpu.enqueue_indirect_dma source(%dma_start3A_54 : memref<10000x128xf32, #tpu.memory_space<vmem_shared>>) target(%dma_start3A_49 : memref<40x128xf32, #tpu.memory_space<vmem>>) offsets(%dma_start3A_51 : memref<40xi32, #tpu.memory_space<vmem>>) semaphore(%arg17 : memref<!tpu.dma_semaphore, #tpu.memory_space<semaphore_mem>>)
    %scan3A = arith.constant 0 : i32
    %scan3A_55 = arith.constant 0 : i32
    %scan3A_56 = arith.constant 125 : i32
    %scan3A_57 = arith.addi %scan3A_55, %scan3A_56 : i32
    %scan3A_58 = arith.constant 1 : i32
    scf.for %scan3A_86 = %scan3A_55 to %scan3A_57 step %scan3A_58  : i32 {
      %mul3A_87 = arith.constant 2 : i32
      %mul3A_88 = arith.muli %scan3A_86, %mul3A_87 : i32
      %add3A_89 = arith.constant 0 : i32
      %add3A_90 = arith.addi %mul3A_88, %add3A_89 : i32
      %dma_wait3A_91 = arith.constant 0 : i32
      %dma_wait3A_92 = arith.constant 0 : i32
      %dma_wait3A_93 = arith.constant 0 : i32
      %dma_wait3A_94 = tpu.memref_slice %arg8[%dma_wait3A_91, %dma_wait3A_92, %dma_wait3A_93] : memref<2x40x128xf32, #tpu.memory_space<vmem>> -> memref<1x40x128xf32, #tpu.memory_space<vmem>>
      %dma_wait3A_95 = tpu.memref_squeeze %dma_wait3A_94 : memref<1x40x128xf32, #tpu.memory_space<vmem>> -> memref<40x128xf32, #tpu.memory_space<vmem>>
      %dma_wait3A_96 = arith.constant 0 : i32
      %dma_wait3A_97 = tpu.memref_slice %arg6[%dma_wait3A_96] : memref<10000xi32, #tpu.memory_space<vmem>> -> memref<40xi32, #tpu.memory_space<vmem>>
      %dma_wait3A_98 = arith.constant 0 : i32
      %dma_wait3A_99 = arith.constant 0 : i32
      %dma_wait3A_100 = tpu.memref_slice %arg11[%dma_wait3A_98, %dma_wait3A_99] : memref<10000x128xf32, #tpu.memory_space<vmem_shared>> -> memref<10000x128xf32, #tpu.memory_space<vmem_shared>>
      tpu.wait_indirect_dma semaphore(%arg14 : memref<!tpu.dma_semaphore, #tpu.memory_space<semaphore_mem>>) src(%dma_wait3A_100 : memref<10000x128xf32, #tpu.memory_space<vmem_shared>>) dst(%dma_wait3A_95 : memref<40x128xf32, #tpu.memory_space<vmem>>)
      %dma_wait3A_101 = arith.constant 0 : i32
      %dma_wait3A_102 = arith.constant 0 : i32
      %dma_wait3A_103 = arith.constant 0 : i32
      %dma_wait3A_104 = tpu.memref_slice %arg9[%dma_wait3A_101, %dma_wait3A_102, %dma_wait3A_103] : memref<2x40x128xf32, #tpu.memory_space<vmem>> -> memref<1x40x128xf32, #tpu.memory_space<vmem>>
      %dma_wait3A_105 = tpu.memref_squeeze %dma_wait3A_104 : memref<1x40x128xf32, #tpu.memory_space<vmem>> -> memref<40x128xf32, #tpu.memory_space<vmem>>
      %dma_wait3A_106 = arith.constant 0 : i32
      %dma_wait3A_107 = tpu.memref_slice %arg7[%dma_wait3A_106] : memref<10000xi32, #tpu.memory_space<vmem>> -> memref<40xi32, #tpu.memory_space<vmem>>
      %dma_wait3A_108 = arith.constant 0 : i32
      %dma_wait3A_109 = arith.constant 0 : i32
      %dma_wait3A_110 = tpu.memref_slice %arg11[%dma_wait3A_108, %dma_wait3A_109] : memref<10000x128xf32, #tpu.memory_space<vmem_shared>> -> memref<10000x128xf32, #tpu.memory_space<vmem_shared>>
      tpu.wait_indirect_dma semaphore(%arg16 : memref<!tpu.dma_semaphore, #tpu.memory_space<semaphore_mem>>) src(%dma_wait3A_110 : memref<10000x128xf32, #tpu.memory_space<vmem_shared>>) dst(%dma_wait3A_105 : memref<40x128xf32, #tpu.memory_space<vmem>>)
      %ge3A = arith.constant 2 : i32
      %ge3A_111 = arith.cmpi sge, %add3A_90, %ge3A : i32
      %convert_element_type3A_112 = arith.extui %ge3A_111 : i1 to i32
      %cond3A_113 = arith.constant 0 : i32
      %cond3A_114 = arith.cmpi ne, %convert_element_type3A_112, %cond3A_113 : i32
      scf.if %cond3A_114 {
        %dma_wait3A_202 = arith.constant 0 : i32
        %dma_wait3A_203 = arith.constant 0 : i32
        %dma_wait3A_204 = arith.constant 0 : i32
        %dma_wait3A_205 = tpu.memref_slice %arg10[%dma_wait3A_202, %dma_wait3A_203, %dma_wait3A_204] : memref<2x40x128xf32, #tpu.memory_space<vmem>> -> memref<1x40x128xf32, #tpu.memory_space<vmem>>
        %dma_wait3A_206 = tpu.memref_squeeze %dma_wait3A_205 : memref<1x40x128xf32, #tpu.memory_space<vmem>> -> memref<40x128xf32, #tpu.memory_space<vmem>>
        %dma_wait3A_207 = arith.constant 0 : i32
        %dma_wait3A_208 = tpu.memref_slice %arg5[%mul3A_2, %dma_wait3A_207] : memref<320000x128xf32, #tpu.memory_space<hbm>> -> memref<40x128xf32, #tpu.memory_space<hbm>>
        %dma_wait3A_209 = arith.constant 0 : i32
        %dma_wait3A_210 = tpu.memref_slice %arg5[%mul3A_2, %dma_wait3A_209] : memref<320000x128xf32, #tpu.memory_space<hbm>> -> memref<40x128xf32, #tpu.memory_space<hbm>>
        %dma_wait3A_211 = arith.constant 0 : i32
        %dma_wait3A_212 = arith.constant 0 : i32
        %dma_wait3A_213 = tpu.memref_slice %arg10[%dma_wait3A_202, %dma_wait3A_211, %dma_wait3A_212] : memref<2x40x128xf32, #tpu.memory_space<vmem>> -> memref<1x40x128xf32, #tpu.memory_space<vmem>>
        %dma_wait3A_214 = tpu.memref_squeeze %dma_wait3A_213 : memref<1x40x128xf32, #tpu.memory_space<vmem>> -> memref<40x128xf32, #tpu.memory_space<vmem>>
        tpu.wait_dma2 semaphore(%arg18 : memref<!tpu.dma_semaphore, #tpu.memory_space<semaphore_mem>>) src(%dma_wait3A_214 : memref<40x128xf32, #tpu.memory_space<vmem>>) dst(%dma_wait3A_210 : memref<40x128xf32, #tpu.memory_space<hbm>>)
      } else {
      }
      %scan3A_115 = arith.constant 0 : i32
      %scan3A_116 = arith.constant 0 : i32
      %scan3A_117 = arith.constant 10 : i32
      %scan3A_118 = arith.addi %scan3A_116, %scan3A_117 : i32
      %scan3A_119 = arith.constant 1 : i32
      scf.for %scan3A_202 = %scan3A_116 to %scan3A_118 step %scan3A_119  : i32 {
        %mul3A_203 = arith.constant 4 : i32
        %mul3A_204 = arith.muli %scan3A_202, %mul3A_203 : i32
        %add3A_205 = arith.constant 0 : i32
        %add3A_206 = arith.addi %mul3A_204, %add3A_205 : i32
        %get3A = arith.constant 0 : i32
        %get3A_207 = arith.index_cast %get3A : i32 to index
        %get3A_208 = arith.index_cast %add3A_206 : i32 to index
        %get3A_209 = arith.constant 0 : index
        %get3A_210 = tpu.vector_load %arg9[%get3A_207, %get3A_208, %get3A_209] {strides = array<i32>} : memref<2x40x128xf32, #tpu.memory_space<vmem>>, vector<1x1x16xf32>,
        %get3A_211 = vector.shape_cast %get3A_210 : vector<1x1x16xf32> to vector<16xf32>
        %get3A_212 = arith.constant 0 : i32
        %get3A_213 = arith.index_cast %get3A_212 : i32 to index
        %get3A_214 = arith.index_cast %add3A_206 : i32 to index
        %get3A_215 = arith.constant 0 : index
        %get3A_216 = tpu.vector_load %arg8[%get3A_213, %get3A_214, %get3A_215] {strides = array<i32>} : memref<2x40x128xf32, #tpu.memory_space<vmem>>, vector<1x1x16xf32>,
        %get3A_217 = vector.shape_cast %get3A_216 : vector<1x1x16xf32> to vector<16xf32>
        %sub3A = arith.subf %get3A_211, %get3A_217 : vector<16xf32>
        %swap3A = arith.constant 0 : i32
        %swap3A_218 = arith.index_cast %swap3A : i32 to index
        %swap3A_219 = arith.index_cast %add3A_206 : i32 to index
        %swap3A_220 = arith.constant 0 : index
        %swap3A_221 = tpu.vector_load %arg10[%swap3A_218, %swap3A_219, %swap3A_220] {strides = array<i32>} : memref<2x40x128xf32, #tpu.memory_space<vmem>>, vector<1x1x16xf32>,
        %swap3A_222 = vector.shape_cast %swap3A_221 : vector<1x1x16xf32> to vector<16xf32>
        %swap3A_223 = vector.shape_cast %sub3A : vector<16xf32> to vector<1x1x16xf32>
        tpu.vector_store %arg10[%swap3A_218, %swap3A_219, %swap3A_220], %swap3A_223 {strides = array<i32>} : memref<2x40x128xf32, #tpu.memory_space<vmem>>, vector<1x1x16xf32>,
        %get3A_224 = arith.constant 0 : i32
        %get3A_225 = arith.index_cast %get3A_224 : i32 to index
        %get3A_226 = arith.index_cast %add3A_206 : i32 to index
        %get3A_227 = arith.constant 16 : index
        %get3A_228 = tpu.vector_load %arg9[%get3A_225, %get3A_226, %get3A_227] {strides = array<i32>} : memref<2x40x128xf32, #tpu.memory_space<vmem>>, vector<1x1x16xf32>,
        %get3A_229 = vector.shape_cast %get3A_228 : vector<1x1x16xf32> to vector<16xf32>
        %get3A_230 = arith.constant 0 : i32
        %get3A_231 = arith.index_cast %get3A_230 : i32 to index
        %get3A_232 = arith.index_cast %add3A_206 : i32 to index
        %get3A_233 = arith.constant 16 : index
        %get3A_234 = tpu.vector_load %arg8[%get3A_231, %get3A_232, %get3A_233] {strides = array<i32>} : memref<2x40x128xf32, #tpu.memory_space<vmem>>, vector<1x1x16xf32>,
        %get3A_235 = vector.shape_cast %get3A_234 : vector<1x1x16xf32> to vector<16xf32>
        %sub3A_236 = arith.subf %get3A_229, %get3A_235 : vector<16xf32>
        %swap3A_237 = arith.constant 0 : i32
        %swap3A_238 = arith.index_cast %swap3A_237 : i32 to index
        %swap3A_239 = arith.index_cast %add3A_206 : i32 to index
        %swap3A_240 = arith.constant 16 : index
        %swap3A_241 = tpu.vector_load %arg10[%swap3A_238, %swap3A_239, %swap3A_240] {strides = array<i32>} : memref<2x40x128xf32, #tpu.memory_space<vmem>>, vector<1x1x16xf32>,
        %swap3A_242 = vector.shape_cast %swap3A_241 : vector<1x1x16xf32> to vector<16xf32>
        %swap3A_243 = vector.shape_cast %sub3A_236 : vector<16xf32> to vector<1x1x16xf32>
        tpu.vector_store %arg10[%swap3A_238, %swap3A_239, %swap3A_240], %swap3A_243 {strides = array<i32>} : memref<2x40x128xf32, #tpu.memory_space<vmem>>, vector<1x1x16xf32>,
        %get3A_244 = arith.constant 0 : i32
        %get3A_245 = arith.index_cast %get3A_244 : i32 to index
        %get3A_246 = arith.index_cast %add3A_206 : i32 to index
        %get3A_247 = arith.constant 32 : index
        %get3A_248 = tpu.vector_load %arg9[%get3A_245, %get3A_246, %get3A_247] {strides = array<i32>} : memref<2x40x128xf32, #tpu.memory_space<vmem>>, vector<1x1x16xf32>,
        %get3A_249 = vector.shape_cast %get3A_248 : vector<1x1x16xf32> to vector<16xf32>
        %get3A_250 = arith.constant 0 : i32
        %get3A_251 = arith.index_cast %get3A_250 : i32 to index
        %get3A_252 = arith.index_cast %add3A_206 : i32 to index
        %get3A_253 = arith.constant 32 : index
        %get3A_254 = tpu.vector_load %arg8[%get3A_251, %get3A_252, %get3A_253] {strides = array<i32>} : memref<2x40x128xf32, #tpu.memory_space<vmem>>, vector<1x1x16xf32>,
        %get3A_255 = vector.shape_cast %get3A_254 : vector<1x1x16xf32> to vector<16xf32>
        %sub3A_256 = arith.subf %get3A_249, %get3A_255 : vector<16xf32>
        %swap3A_257 = arith.constant 0 : i32
        %swap3A_258 = arith.index_cast %swap3A_257 : i32 to index
        %swap3A_259 = arith.index_cast %add3A_206 : i32 to index
        %swap3A_260 = arith.constant 32 : index
        %swap3A_261 = tpu.vector_load %arg10[%swap3A_258, %swap3A_259, %swap3A_260] {strides = array<i32>} : memref<2x40x128xf32, #tpu.memory_space<vmem>>, vector<1x1x16xf32>,
        %swap3A_262 = vector.shape_cast %swap3A_261 : vector<1x1x16xf32> to vector<16xf32>
        %swap3A_263 = vector.shape_cast %sub3A_256 : vector<16xf32> to vector<1x1x16xf32>
        tpu.vector_store %arg10[%swap3A_258, %swap3A_259, %swap3A_260], %swap3A_263 {strides = array<i32>} : memref<2x40x128xf32, #tpu.memory_space<vmem>>, vector<1x1x16xf32>,
        %get3A_264 = arith.constant 0 : i32
        %get3A_265 = arith.index_cast %get3A_264 : i32 to index
        %get3A_266 = arith.index_cast %add3A_206 : i32 to index
        %get3A_267 = arith.constant 48 : index
        %get3A_268 = tpu.vector_load %arg9[%get3A_265, %get3A_266, %get3A_267] {strides = array<i32>} : memref<2x40x128xf32, #tpu.memory_space<vmem>>, vector<1x1x16xf32>,
        %get3A_269 = vector.shape_cast %get3A_268 : vector<1x1x16xf32> to vector<16xf32>
        %get3A_270 = arith.constant 0 : i32
        %get3A_271 = arith.index_cast %get3A_270 : i32 to index
        %get3A_272 = arith.index_cast %add3A_206 : i32 to index
        %get3A_273 = arith.constant 48 : index
        %get3A_274 = tpu.vector_load %arg8[%get3A_271, %get3A_272, %get3A_273] {strides = array<i32>} : memref<2x40x128xf32, #tpu.memory_space<vmem>>, vector<1x1x16xf32>,
        %get3A_275 = vector.shape_cast %get3A_274 : vector<1x1x16xf32> to vector<16xf32>
        %sub3A_276 = arith.subf %get3A_269, %get3A_275 : vector<16xf32>
        %swap3A_277 = arith.constant 0 : i32
        %swap3A_278 = arith.index_cast %swap3A_277 : i32 to index
        %swap3A_279 = arith.index_cast %add3A_206 : i32 to index
        %swap3A_280 = arith.constant 48 : index
        %swap3A_281 = tpu.vector_load %arg10[%swap3A_278, %swap3A_279, %swap3A_280] {strides = array<i32>} : memref<2x40x128xf32, #tpu.memory_space<vmem>>, vector<1x1x16xf32>,
        %swap3A_282 = vector.shape_cast %swap3A_281 : vector<1x1x16xf32> to vector<16xf32>
        %swap3A_283 = vector.shape_cast %sub3A_276 : vector<16xf32> to vector<1x1x16xf32>
        tpu.vector_store %arg10[%swap3A_278, %swap3A_279, %swap3A_280], %swap3A_283 {strides = array<i32>} : memref<2x40x128xf32, #tpu.memory_space<vmem>>, vector<1x1x16xf32>,
        %get3A_284 = arith.constant 0 : i32
        %get3A_285 = arith.index_cast %get3A_284 : i32 to index
        %get3A_286 = arith.index_cast %add3A_206 : i32 to index
        %get3A_287 = arith.constant 64 : index
        %get3A_288 = tpu.vector_load %arg9[%get3A_285, %get3A_286, %get3A_287] {strides = array<i32>} : memref<2x40x128xf32, #tpu.memory_space<vmem>>, vector<1x1x16xf32>,
        %get3A_289 = vector.shape_cast %get3A_288 : vector<1x1x16xf32> to vector<16xf32>
        %get3A_290 = arith.constant 0 : i32
        %get3A_291 = arith.index_cast %get3A_290 : i32 to index
        %get3A_292 = arith.index_cast %add3A_206 : i32 to index
        %get3A_293 = arith.constant 64 : index
        %get3A_294 = tpu.vector_load %arg8[%get3A_291, %get3A_292, %get3A_293] {strides = array<i32>} : memref<2x40x128xf32, #tpu.memory_space<vmem>>, vector<1x1x16xf32>,
        %get3A_295 = vector.shape_cast %get3A_294 : vector<1x1x16xf32> to vector<16xf32>
        %sub3A_296 = arith.subf %get3A_289, %get3A_295 : vector<16xf32>
        %swap3A_297 = arith.constant 0 : i32
        %swap3A_298 = arith.index_cast %swap3A_297 : i32 to index
        %swap3A_299 = arith.index_cast %add3A_206 : i32 to index
        %swap3A_300 = arith.constant 64 : index
        %swap3A_301 = tpu.vector_load %arg10[%swap3A_298, %swap3A_299, %swap3A_300] {strides = array<i32>} : memref<2x40x128xf32, #tpu.memory_space<vmem>>, vector<1x1x16xf32>,
        %swap3A_302 = vector.shape_cast %swap3A_301 : vector<1x1x16xf32> to vector<16xf32>
        %swap3A_303 = vector.shape_cast %sub3A_296 : vector<16xf32> to vector<1x1x16xf32>
        tpu.vector_store %arg10[%swap3A_298, %swap3A_299, %swap3A_300], %swap3A_303 {strides = array<i32>} : memref<2x40x128xf32, #tpu.memory_space<vmem>>, vector<1x1x16xf32>,
        %get3A_304 = arith.constant 0 : i32
        %get3A_305 = arith.index_cast %get3A_304 : i32 to index
        %get3A_306 = arith.index_cast %add3A_206 : i32 to index
        %get3A_307 = arith.constant 80 : index
        %get3A_308 = tpu.vector_load %arg9[%get3A_305, %get3A_306, %get3A_307] {strides = array<i32>} : memref<2x40x128xf32, #tpu.memory_space<vmem>>, vector<1x1x16xf32>,
        %get3A_309 = vector.shape_cast %get3A_308 : vector<1x1x16xf32> to vector<16xf32>
        %get3A_310 = arith.constant 0 : i32
        %get3A_311 = arith.index_cast %get3A_310 : i32 to index
        %get3A_312 = arith.index_cast %add3A_206 : i32 to index
        %get3A_313 = arith.constant 80 : index
        %get3A_314 = tpu.vector_load %arg8[%get3A_311, %get3A_312, %get3A_313] {strides = array<i32>} : memref<2x40x128xf32, #tpu.memory_space<vmem>>, vector<1x1x16xf32>,
        %get3A_315 = vector.shape_cast %get3A_314 : vector<1x1x16xf32> to vector<16xf32>
        %sub3A_316 = arith.subf %get3A_309, %get3A_315 : vector<16xf32>
        %swap3A_317 = arith.constant 0 : i32
        %swap3A_318 = arith.index_cast %swap3A_317 : i32 to index
        %swap3A_319 = arith.index_cast %add3A_206 : i32 to index
        %swap3A_320 = arith.constant 80 : index
        %swap3A_321 = tpu.vector_load %arg10[%swap3A_318, %swap3A_319, %swap3A_320] {strides = array<i32>} : memref<2x40x128xf32, #tpu.memory_space<vmem>>, vector<1x1x16xf32>,
        %swap3A_322 = vector.shape_cast %swap3A_321 : vector<1x1x16xf32> to vector<16xf32>
        %swap3A_323 = vector.shape_cast %sub3A_316 : vector<16xf32> to vector<1x1x16xf32>
        tpu.vector_store %arg10[%swap3A_318, %swap3A_319, %swap3A_320], %swap3A_323 {strides = array<i32>} : memref<2x40x128xf32, #tpu.memory_space<vmem>>, vector<1x1x16xf32>,
        %get3A_324 = arith.constant 0 : i32
        %get3A_325 = arith.index_cast %get3A_324 : i32 to index
        %get3A_326 = arith.index_cast %add3A_206 : i32 to index
        %get3A_327 = arith.constant 96 : index
        %get3A_328 = tpu.vector_load %arg9[%get3A_325, %get3A_326, %get3A_327] {strides = array<i32>} : memref<2x40x128xf32, #tpu.memory_space<vmem>>, vector<1x1x16xf32>,
        %get3A_329 = vector.shape_cast %get3A_328 : vector<1x1x16xf32> to vector<16xf32>
        %get3A_330 = arith.constant 0 : i32
        %get3A_331 = arith.index_cast %get3A_330 : i32 to index
        %get3A_332 = arith.index_cast %add3A_206 : i32 to index
        %get3A_333 = arith.constant 96 : index
        %get3A_334 = tpu.vector_load %arg8[%get3A_331, %get3A_332, %get3A_333] {strides = array<i32>} : memref<2x40x128xf32, #tpu.memory_space<vmem>>, vector<1x1x16xf32>,
        %get3A_335 = vector.shape_cast %get3A_334 : vector<1x1x16xf32> to vector<16xf32>
        %sub3A_336 = arith.subf %get3A_329, %get3A_335 : vector<16xf32>
        %swap3A_337 = arith.constant 0 : i32
        %swap3A_338 = arith.index_cast %swap3A_337 : i32 to index
        %swap3A_339 = arith.index_cast %add3A_206 : i32 to index
        %swap3A_340 = arith.constant 96 : index
        %swap3A_341 = tpu.vector_load %arg10[%swap3A_338, %swap3A_339, %swap3A_340] {strides = array<i32>} : memref<2x40x128xf32, #tpu.memory_space<vmem>>, vector<1x1x16xf32>,
        %swap3A_342 = vector.shape_cast %swap3A_341 : vector<1x1x16xf32> to vector<16xf32>
        %swap3A_343 = vector.shape_cast %sub3A_336 : vector<16xf32> to vector<1x1x16xf32>
        tpu.vector_store %arg10[%swap3A_338, %swap3A_339, %swap3A_340], %swap3A_343 {strides = array<i32>} : memref<2x40x128xf32, #tpu.memory_space<vmem>>, vector<1x1x16xf32>,
        %get3A_344 = arith.constant 0 : i32
        %get3A_345 = arith.index_cast %get3A_344 : i32 to index
        %get3A_346 = arith.index_cast %add3A_206 : i32 to index
        %get3A_347 = arith.constant 112 : index
        %get3A_348 = tpu.vector_load %arg9[%get3A_345, %get3A_346, %get3A_347] {strides = array<i32>} : memref<2x40x128xf32, #tpu.memory_space<vmem>>, vector<1x1x16xf32>,
        %get3A_349 = vector.shape_cast %get3A_348 : vector<1x1x16xf32> to vector<16xf32>
        %get3A_350 = arith.constant 0 : i32
        %get3A_351 = arith.index_cast %get3A_350 : i32 to index
        %get3A_352 = arith.index_cast %add3A_206 : i32 to index
        %get3A_353 = arith.constant 112 : index
        %get3A_354 = tpu.vector_load %arg8[%get3A_351, %get3A_352, %get3A_353] {strides = array<i32>} : memref<2x40x128xf32, #tpu.memory_space<vmem>>, vector<1x1x16xf32>,
        %get3A_355 = vector.shape_cast %get3A_354 : vector<1x1x16xf32> to vector<16xf32>
        %sub3A_356 = arith.subf %get3A_349, %get3A_355 : vector<16xf32>
        %swap3A_357 = arith.constant 0 : i32
        %swap3A_358 = arith.index_cast %swap3A_357 : i32 to index
        %swap3A_359 = arith.index_cast %add3A_206 : i32 to index
        %swap3A_360 = arith.constant 112 : index
        %swap3A_361 = tpu.vector_load %arg10[%swap3A_358, %swap3A_359, %swap3A_360] {strides = array<i32>} : memref<2x40x128xf32, #tpu.memory_space<vmem>>, vector<1x1x16xf32>,
        %swap3A_362 = vector.shape_cast %swap3A_361 : vector<1x1x16xf32> to vector<16xf32>
        %swap3A_363 = vector.shape_cast %sub3A_356 : vector<16xf32> to vector<1x1x16xf32>
        tpu.vector_store %arg10[%swap3A_358, %swap3A_359, %swap3A_360], %swap3A_363 {strides = array<i32>} : memref<2x40x128xf32, #tpu.memory_space<vmem>>, vector<1x1x16xf32>,
        %mul3A_364 = arith.constant 4 : i32
        %mul3A_365 = arith.muli %scan3A_202, %mul3A_364 : i32
        %add3A_366 = arith.constant 1 : i32
        %add3A_367 = arith.addi %mul3A_365, %add3A_366 : i32
        %get3A_368 = arith.constant 0 : i32
        %get3A_369 = arith.index_cast %get3A_368 : i32 to index
        %get3A_370 = arith.index_cast %add3A_367 : i32 to index
        %get3A_371 = arith.constant 0 : index
        %get3A_372 = tpu.vector_load %arg9[%get3A_369, %get3A_370, %get3A_371] {strides = array<i32>} : memref<2x40x128xf32, #tpu.memory_space<vmem>>, vector<1x1x16xf32>,
        %get3A_373 = vector.shape_cast %get3A_372 : vector<1x1x16xf32> to vector<16xf32>
        %get3A_374 = arith.constant 0 : i32
        %get3A_375 = arith.index_cast %get3A_374 : i32 to index
        %get3A_376 = arith.index_cast %add3A_367 : i32 to index
        %get3A_377 = arith.constant 0 : index
        %get3A_378 = tpu.vector_load %arg8[%get3A_375, %get3A_376, %get3A_377] {strides = array<i32>} : memref<2x40x128xf32, #tpu.memory_space<vmem>>, vector<1x1x16xf32>,
        %get3A_379 = vector.shape_cast %get3A_378 : vector<1x1x16xf32> to vector<16xf32>
        %sub3A_380 = arith.subf %get3A_373, %get3A_379 : vector<16xf32>
        %swap3A_381 = arith.constant 0 : i32
        %swap3A_382 = arith.index_cast %swap3A_381 : i32 to index
        %swap3A_383 = arith.index_cast %add3A_367 : i32 to index
        %swap3A_384 = arith.constant 0 : index
        %swap3A_385 = tpu.vector_load %arg10[%swap3A_382, %swap3A_383, %swap3A_384] {strides = array<i32>} : memref<2x40x128xf32, #tpu.memory_space<vmem>>, vector<1x1x16xf32>,
        %swap3A_386 = vector.shape_cast %swap3A_385 : vector<1x1x16xf32> to vector<16xf32>
        %swap3A_387 = vector.shape_cast %sub3A_380 : vector<16xf32> to vector<1x1x16xf32>
        tpu.vector_store %arg10[%swap3A_382, %swap3A_383, %swap3A_384], %swap3A_387 {strides = array<i32>} : memref<2x40x128xf32, #tpu.memory_space<vmem>>, vector<1x1x16xf32>,
        %get3A_388 = arith.constant 0 : i32
        %get3A_389 = arith.index_cast %get3A_388 : i32 to index
        %get3A_390 = arith.index_cast %add3A_367 : i32 to index
        %get3A_391 = arith.constant 16 : index
        %get3A_392 = tpu.vector_load %arg9[%get3A_389, %get3A_390, %get3A_391] {strides = array<i32>} : memref<2x40x128xf32, #tpu.memory_space<vmem>>, vector<1x1x16xf32>,
        %get3A_393 = vector.shape_cast %get3A_392 : vector<1x1x16xf32> to vector<16xf32>
        %get3A_394 = arith.constant 0 : i32
        %get3A_395 = arith.index_cast %get3A_394 : i32 to index
        %get3A_396 = arith.index_cast %add3A_367 : i32 to index
        %get3A_397 = arith.constant 16 : index
        %get3A_398 = tpu.vector_load %arg8[%get3A_395, %get3A_396, %get3A_397] {strides = array<i32>} : memref<2x40x128xf32, #tpu.memory_space<vmem>>, vector<1x1x16xf32>,
        %get3A_399 = vector.shape_cast %get3A_398 : vector<1x1x16xf32> to vector<16xf32>
        %sub3A_400 = arith.subf %get3A_393, %get3A_399 : vector<16xf32>
        %swap3A_401 = arith.constant 0 : i32
        %swap3A_402 = arith.index_cast %swap3A_401 : i32 to index
        %swap3A_403 = arith.index_cast %add3A_367 : i32 to index
        %swap3A_404 = arith.constant 16 : index
        %swap3A_405 = tpu.vector_load %arg10[%swap3A_402, %swap3A_403, %swap3A_404] {strides = array<i32>} : memref<2x40x128xf32, #tpu.memory_space<vmem>>, vector<1x1x16xf32>,
        %swap3A_406 = vector.shape_cast %swap3A_405 : vector<1x1x16xf32> to vector<16xf32>
        %swap3A_407 = vector.shape_cast %sub3A_400 : vector<16xf32> to vector<1x1x16xf32>
        tpu.vector_store %arg10[%swap3A_402, %swap3A_403, %swap3A_404], %swap3A_407 {strides = array<i32>} : memref<2x40x128xf32, #tpu.memory_space<vmem>>, vector<1x1x16xf32>,
        %get3A_408 = arith.constant 0 : i32
        %get3A_409 = arith.index_cast %get3A_408 : i32 to index
        %get3A_410 = arith.index_cast %add3A_367 : i32 to index
        %get3A_411 = arith.constant 32 : index
        %get3A_412 = tpu.vector_load %arg9[%get3A_409, %get3A_410, %get3A_411] {strides = array<i32>} : memref<2x40x128xf32, #tpu.memory_space<vmem>>, vector<1x1x16xf32>,
        %get3A_413 = vector.shape_cast %get3A_412 : vector<1x1x16xf32> to vector<16xf32>
        %get3A_414 = arith.constant 0 : i32
        %get3A_415 = arith.index_cast %get3A_414 : i32 to index
        %get3A_416 = arith.index_cast %add3A_367 : i32 to index
        %get3A_417 = arith.constant 32 : index
        %get3A_418 = tpu.vector_load %arg8[%get3A_415, %get3A_416, %get3A_417] {strides = array<i32>} : memref<2x40x128xf32, #tpu.memory_space<vmem>>, vector<1x1x16xf32>,
        %get3A_419 = vector.shape_cast %get3A_418 : vector<1x1x16xf32> to vector<16xf32>
        %sub3A_420 = arith.subf %get3A_413, %get3A_419 : vector<16xf32>
        %swap3A_421 = arith.constant 0 : i32
        %swap3A_422 = arith.index_cast %swap3A_421 : i32 to index
        %swap3A_423 = arith.index_cast %add3A_367 : i32 to index
        %swap3A_424 = arith.constant 32 : index
        %swap3A_425 = tpu.vector_load %arg10[%swap3A_422, %swap3A_423, %swap3A_424] {strides = array<i32>} : memref<2x40x128xf32, #tpu.memory_space<vmem>>, vector<1x1x16xf32>,
        %swap3A_426 = vector.shape_cast %swap3A_425 : vector<1x1x16xf32> to vector<16xf32>
        %swap3A_427 = vector.shape_cast %sub3A_420 : vector<16xf32> to vector<1x1x16xf32>
        tpu.vector_store %arg10[%swap3A_422, %swap3A_423, %swap3A_424], %swap3A_427 {strides = array<i32>} : memref<2x40x128xf32, #tpu.memory_space<vmem>>, vector<1x1x16xf32>,
        %get3A_428 = arith.constant 0 : i32
        %get3A_429 = arith.index_cast %get3A_428 : i32 to index
        %get3A_430 = arith.index_cast %add3A_367 : i32 to index
        %get3A_431 = arith.constant 48 : index
        %get3A_432 = tpu.vector_load %arg9[%get3A_429, %get3A_430, %get3A_431] {strides = array<i32>} : memref<2x40x128xf32, #tpu.memory_space<vmem>>, vector<1x1x16xf32>,
        %get3A_433 = vector.shape_cast %get3A_432 : vector<1x1x16xf32> to vector<16xf32>
        %get3A_434 = arith.constant 0 : i32
        %get3A_435 = arith.index_cast %get3A_434 : i32 to index
        %get3A_436 = arith.index_cast %add3A_367 : i32 to index
        %get3A_437 = arith.constant 48 : index
        %get3A_438 = tpu.vector_load %arg8[%get3A_435, %get3A_436, %get3A_437] {strides = array<i32>} : memref<2x40x128xf32, #tpu.memory_space<vmem>>, vector<1x1x16xf32>,
        %get3A_439 = vector.shape_cast %get3A_438 : vector<1x1x16xf32> to vector<16xf32>
        %sub3A_440 = arith.subf %get3A_433, %get3A_439 : vector<16xf32>
        %swap3A_441 = arith.constant 0 : i32
        %swap3A_442 = arith.index_cast %swap3A_441 : i32 to index
        %swap3A_443 = arith.index_cast %add3A_367 : i32 to index
        %swap3A_444 = arith.constant 48 : index
        %swap3A_445 = tpu.vector_load %arg10[%swap3A_442, %swap3A_443, %swap3A_444] {strides = array<i32>} : memref<2x40x128xf32, #tpu.memory_space<vmem>>, vector<1x1x16xf32>,
        %swap3A_446 = vector.shape_cast %swap3A_445 : vector<1x1x16xf32> to vector<16xf32>
        %swap3A_447 = vector.shape_cast %sub3A_440 : vector<16xf32> to vector<1x1x16xf32>
        tpu.vector_store %arg10[%swap3A_442, %swap3A_443, %swap3A_444], %swap3A_447 {strides = array<i32>} : memref<2x40x128xf32, #tpu.memory_space<vmem>>, vector<1x1x16xf32>,
        %get3A_448 = arith.constant 0 : i32
        %get3A_449 = arith.index_cast %get3A_448 : i32 to index
        %get3A_450 = arith.index_cast %add3A_367 : i32 to index
        %get3A_451 = arith.constant 64 : index
        %get3A_452 = tpu.vector_load %arg9[%get3A_449, %get3A_450, %get3A_451] {strides = array<i32>} : memref<2x40x128xf32, #tpu.memory_space<vmem>>, vector<1x1x16xf32>,
        %get3A_453 = vector.shape_cast %get3A_452 : vector<1x1x16xf32> to vector<16xf32>
        %get3A_454 = arith.constant 0 : i32
        %get3A_455 = arith.index_cast %get3A_454 : i32 to index
        %get3A_456 = arith.index_cast %add3A_367 : i32 to index
        %get3A_457 = arith.constant 64 : index
        %get3A_458 = tpu.vector_load %arg8[%get3A_455, %get3A_456, %get3A_457] {strides = array<i32>} : memref<2x40x128xf32, #tpu.memory_space<vmem>>, vector<1x1x16xf32>,
        %get3A_459 = vector.shape_cast %get3A_458 : vector<1x1x16xf32> to vector<16xf32>
        %sub3A_460 = arith.subf %get3A_453, %get3A_459 : vector<16xf32>
        %swap3A_461 = arith.constant 0 : i32
        %swap3A_462 = arith.index_cast %swap3A_461 : i32 to index
        %swap3A_463 = arith.index_cast %add3A_367 : i32 to index
        %swap3A_464 = arith.constant 64 : index
        %swap3A_465 = tpu.vector_load %arg10[%swap3A_462, %swap3A_463, %swap3A_464] {strides = array<i32>} : memref<2x40x128xf32, #tpu.memory_space<vmem>>, vector<1x1x16xf32>,
        %swap3A_466 = vector.shape_cast %swap3A_465 : vector<1x1x16xf32> to vector<16xf32>
        %swap3A_467 = vector.shape_cast %sub3A_460 : vector<16xf32> to vector<1x1x16xf32>
        tpu.vector_store %arg10[%swap3A_462, %swap3A_463, %swap3A_464], %swap3A_467 {strides = array<i32>} : memref<2x40x128xf32, #tpu.memory_space<vmem>>, vector<1x1x16xf32>,
        %get3A_468 = arith.constant 0 : i32
        %get3A_469 = arith.index_cast %get3A_468 : i32 to index
        %get3A_470 = arith.index_cast %add3A_367 : i32 to index
        %get3A_471 = arith.constant 80 : index
        %get3A_472 = tpu.vector_load %arg9[%get3A_469, %get3A_470, %get3A_471] {strides = array<i32>} : memref<2x40x128xf32, #tpu.memory_space<vmem>>, vector<1x1x16xf32>,
        %get3A_473 = vector.shape_cast %get3A_472 : vector<1x1x16xf32> to vector<16xf32>
        %get3A_474 = arith.constant 0 : i32
        %get3A_475 = arith.index_cast %get3A_474 : i32 to index
        %get3A_476 = arith.index_cast %add3A_367 : i32 to index
        %get3A_477 = arith.constant 80 : index
        %get3A_478 = tpu.vector_load %arg8[%get3A_475, %get3A_476, %get3A_477] {strides = array<i32>} : memref<2x40x128xf32, #tpu.memory_space<vmem>>, vector<1x1x16xf32>,
        %get3A_479 = vector.shape_cast %get3A_478 : vector<1x1x16xf32> to vector<16xf32>
        %sub3A_480 = arith.subf %get3A_473, %get3A_479 : vector<16xf32>
        %swap3A_481 = arith.constant 0 : i32
        %swap3A_482 = arith.index_cast %swap3A_481 : i32 to index
        %swap3A_483 = arith.index_cast %add3A_367 : i32 to index
        %swap3A_484 = arith.constant 80 : index
        %swap3A_485 = tpu.vector_load %arg10[%swap3A_482, %swap3A_483, %swap3A_484] {strides = array<i32>} : memref<2x40x128xf32, #tpu.memory_space<vmem>>, vector<1x1x16xf32>,
        %swap3A_486 = vector.shape_cast %swap3A_485 : vector<1x1x16xf32> to vector<16xf32>
        %swap3A_487 = vector.shape_cast %sub3A_480 : vector<16xf32> to vector<1x1x16xf32>
        tpu.vector_store %arg10[%swap3A_482, %swap3A_483, %swap3A_484], %swap3A_487 {strides = array<i32>} : memref<2x40x128xf32, #tpu.memory_space<vmem>>, vector<1x1x16xf32>,
        %get3A_488 = arith.constant 0 : i32
        %get3A_489 = arith.index_cast %get3A_488 : i32 to index
        %get3A_490 = arith.index_cast %add3A_367 : i32 to index
        %get3A_491 = arith.constant 96 : index
        %get3A_492 = tpu.vector_load %arg9[%get3A_489, %get3A_490, %get3A_491] {strides = array<i32>} : memref<2x40x128xf32, #tpu.memory_space<vmem>>, vector<1x1x16xf32>,
        %get3A_493 = vector.shape_cast %get3A_492 : vector<1x1x16xf32> to vector<16xf32>
        %get3A_494 = arith.constant 0 : i32
        %get3A_495 = arith.index_cast %get3A_494 : i32 to index
        %get3A_496 = arith.index_cast %add3A_367 : i32 to index
        %get3A_497 = arith.constant 96 : index
        %get3A_498 = tpu.vector_load %arg8[%get3A_495, %get3A_496, %get3A_497] {strides = array<i32>} : memref<2x40x128xf32, #tpu.memory_space<vmem>>, vector<1x1x16xf32>,
        %get3A_499 = vector.shape_cast %get3A_498 : vector<1x1x16xf32> to vector<16xf32>
        %sub3A_500 = arith.subf %get3A_493, %get3A_499 : vector<16xf32>
        %swap3A_501 = arith.constant 0 : i32
        %swap3A_502 = arith.index_cast %swap3A_501 : i32 to index
        %swap3A_503 = arith.index_cast %add3A_367 : i32 to index
        %swap3A_504 = arith.constant 96 : index
        %swap3A_505 = tpu.vector_load %arg10[%swap3A_502, %swap3A_503, %swap3A_504] {strides = array<i32>} : memref<2x40x128xf32, #tpu.memory_space<vmem>>, vector<1x1x16xf32>,
        %swap3A_506 = vector.shape_cast %swap3A_505 : vector<1x1x16xf32> to vector<16xf32>
        %swap3A_507 = vector.shape_cast %sub3A_500 : vector<16xf32> to vector<1x1x16xf32>
        tpu.vector_store %arg10[%swap3A_502, %swap3A_503, %swap3A_504], %swap3A_507 {strides = array<i32>} : memref<2x40x128xf32, #tpu.memory_space<vmem>>, vector<1x1x16xf32>,
        %get3A_508 = arith.constant 0 : i32
        %get3A_509 = arith.index_cast %get3A_508 : i32 to index
        %get3A_510 = arith.index_cast %add3A_367 : i32 to index
        %get3A_511 = arith.constant 112 : index
        %get3A_512 = tpu.vector_load %arg9[%get3A_509, %get3A_510, %get3A_511] {strides = array<i32>} : memref<2x40x128xf32, #tpu.memory_space<vmem>>, vector<1x1x16xf32>,
        %get3A_513 = vector.shape_cast %get3A_512 : vector<1x1x16xf32> to vector<16xf32>
        %get3A_514 = arith.constant 0 : i32
        %get3A_515 = arith.index_cast %get3A_514 : i32 to index
        %get3A_516 = arith.index_cast %add3A_367 : i32 to index
        %get3A_517 = arith.constant 112 : index
        %get3A_518 = tpu.vector_load %arg8[%get3A_515, %get3A_516, %get3A_517] {strides = array<i32>} : memref<2x40x128xf32, #tpu.memory_space<vmem>>, vector<1x1x16xf32>,
        %get3A_519 = vector.shape_cast %get3A_518 : vector<1x1x16xf32> to vector<16xf32>
        %sub3A_520 = arith.subf %get3A_513, %get3A_519 : vector<16xf32>
        %swap3A_521 = arith.constant 0 : i32
        %swap3A_522 = arith.index_cast %swap3A_521 : i32 to index
        %swap3A_523 = arith.index_cast %add3A_367 : i32 to index
        %swap3A_524 = arith.constant 112 : index
        %swap3A_525 = tpu.vector_load %arg10[%swap3A_522, %swap3A_523, %swap3A_524] {strides = array<i32>} : memref<2x40x128xf32, #tpu.memory_space<vmem>>, vector<1x1x16xf32>,
        %swap3A_526 = vector.shape_cast %swap3A_525 : vector<1x1x16xf32> to vector<16xf32>
        %swap3A_527 = vector.shape_cast %sub3A_520 : vector<16xf32> to vector<1x1x16xf32>
        tpu.vector_store %arg10[%swap3A_522, %swap3A_523, %swap3A_524], %swap3A_527 {strides = array<i32>} : memref<2x40x128xf32, #tpu.memory_space<vmem>>, vector<1x1x16xf32>,
        %mul3A_528 = arith.constant 4 : i32
        %mul3A_529 = arith.muli %scan3A_202, %mul3A_528 : i32
        %add3A_530 = arith.constant 2 : i32
        %add3A_531 = arith.addi %mul3A_529, %add3A_530 : i32
        %get3A_532 = arith.constant 0 : i32
        %get3A_533 = arith.index_cast %get3A_532 : i32 to index
        %get3A_534 = arith.index_cast %add3A_531 : i32 to index
        %get3A_535 = arith.constant 0 : index
        %get3A_536 = tpu.vector_load %arg9[%get3A_533, %get3A_534, %get3A_535] {strides = array<i32>} : memref<2x40x128xf32, #tpu.memory_space<vmem>>, vector<1x1x16xf32>,
        %get3A_537 = vector.shape_cast %get3A_536 : vector<1x1x16xf32> to vector<16xf32>
        %get3A_538 = arith.constant 0 : i32
        %get3A_539 = arith.index_cast %get3A_538 : i32 to index
        %get3A_540 = arith.index_cast %add3A_531 : i32 to index
        %get3A_541 = arith.constant 0 : index
        %get3A_542 = tpu.vector_load %arg8[%get3A_539, %get3A_540, %get3A_541] {strides = array<i32>} : memref<2x40x128xf32, #tpu.memory_space<vmem>>, vector<1x1x16xf32>,
        %get3A_543 = vector.shape_cast %get3A_542 : vector<1x1x16xf32> to vector<16xf32>
        %sub3A_544 = arith.subf %get3A_537, %get3A_543 : vector<16xf32>
        %swap3A_545 = arith.constant 0 : i32
        %swap3A_546 = arith.index_cast %swap3A_545 : i32 to index
        %swap3A_547 = arith.index_cast %add3A_531 : i32 to index
        %swap3A_548 = arith.constant 0 : index
        %swap3A_549 = tpu.vector_load %arg10[%swap3A_546, %swap3A_547, %swap3A_548] {strides = array<i32>} : memref<2x40x128xf32, #tpu.memory_space<vmem>>, vector<1x1x16xf32>,
        %swap3A_550 = vector.shape_cast %swap3A_549 : vector<1x1x16xf32> to vector<16xf32>
        %swap3A_551 = vector.shape_cast %sub3A_544 : vector<16xf32> to vector<1x1x16xf32>
        tpu.vector_store %arg10[%swap3A_546, %swap3A_547, %swap3A_548], %swap3A_551 {strides = array<i32>} : memref<2x40x128xf32, #tpu.memory_space<vmem>>, vector<1x1x16xf32>,
        %get3A_552 = arith.constant 0 : i32
        %get3A_553 = arith.index_cast %get3A_552 : i32 to index
        %get3A_554 = arith.index_cast %add3A_531 : i32 to index
        %get3A_555 = arith.constant 16 : index
        %get3A_556 = tpu.vector_load %arg9[%get3A_553, %get3A_554, %get3A_555] {strides = array<i32>} : memref<2x40x128xf32, #tpu.memory_space<vmem>>, vector<1x1x16xf32>,
        %get3A_557 = vector.shape_cast %get3A_556 : vector<1x1x16xf32> to vector<16xf32>
        %get3A_558 = arith.constant 0 : i32
        %get3A_559 = arith.index_cast %get3A_558 : i32 to index
        %get3A_560 = arith.index_cast %add3A_531 : i32 to index
        %get3A_561 = arith.constant 16 : index
        %get3A_562 = tpu.vector_load %arg8[%get3A_559, %get3A_560, %get3A_561] {strides = array<i32>} : memref<2x40x128xf32, #tpu.memory_space<vmem>>, vector<1x1x16xf32>,
        %get3A_563 = vector.shape_cast %get3A_562 : vector<1x1x16xf32> to vector<16xf32>
        %sub3A_564 = arith.subf %get3A_557, %get3A_563 : vector<16xf32>
        %swap3A_565 = arith.constant 0 : i32
        %swap3A_566 = arith.index_cast %swap3A_565 : i32 to index
        %swap3A_567 = arith.index_cast %add3A_531 : i32 to index
        %swap3A_568 = arith.constant 16 : index
        %swap3A_569 = tpu.vector_load %arg10[%swap3A_566, %swap3A_567, %swap3A_568] {strides = array<i32>} : memref<2x40x128xf32, #tpu.memory_space<vmem>>, vector<1x1x16xf32>,
        %swap3A_570 = vector.shape_cast %swap3A_569 : vector<1x1x16xf32> to vector<16xf32>
        %swap3A_571 = vector.shape_cast %sub3A_564 : vector<16xf32> to vector<1x1x16xf32>
        tpu.vector_store %arg10[%swap3A_566, %swap3A_567, %swap3A_568], %swap3A_571 {strides = array<i32>} : memref<2x40x128xf32, #tpu.memory_space<vmem>>, vector<1x1x16xf32>,
        %get3A_572 = arith.constant 0 : i32
        %get3A_573 = arith.index_cast %get3A_572 : i32 to index
        %get3A_574 = arith.index_cast %add3A_531 : i32 to index
        %get3A_575 = arith.constant 32 : index
        %get3A_576 = tpu.vector_load %arg9[%get3A_573, %get3A_574, %get3A_575] {strides = array<i32>} : memref<2x40x128xf32, #tpu.memory_space<vmem>>, vector<1x1x16xf32>,
        %get3A_577 = vector.shape_cast %get3A_576 : vector<1x1x16xf32> to vector<16xf32>
        %get3A_578 = arith.constant 0 : i32
        %get3A_579 = arith.index_cast %get3A_578 : i32 to index
        %get3A_580 = arith.index_cast %add3A_531 : i32 to index
        %get3A_581 = arith.constant 32 : index
        %get3A_582 = tpu.vector_load %arg8[%get3A_579, %get3A_580, %get3A_581] {strides = array<i32>} : memref<2x40x128xf32, #tpu.memory_space<vmem>>, vector<1x1x16xf32>,
        %get3A_583 = vector.shape_cast %get3A_582 : vector<1x1x16xf32> to vector<16xf32>
        %sub3A_584 = arith.subf %get3A_577, %get3A_583 : vector<16xf32>
        %swap3A_585 = arith.constant 0 : i32
        %swap3A_586 = arith.index_cast %swap3A_585 : i32 to index
        %swap3A_587 = arith.index_cast %add3A_531 : i32 to index
        %swap3A_588 = arith.constant 32 : index
        %swap3A_589 = tpu.vector_load %arg10[%swap3A_586, %swap3A_587, %swap3A_588] {strides = array<i32>} : memref<2x40x128xf32, #tpu.memory_space<vmem>>, vector<1x1x16xf32>,
        %swap3A_590 = vector.shape_cast %swap3A_589 : vector<1x1x16xf32> to vector<16xf32>
        %swap3A_591 = vector.shape_cast %sub3A_584 : vector<16xf32> to vector<1x1x16xf32>
        tpu.vector_store %arg10[%swap3A_586, %swap3A_587, %swap3A_588], %swap3A_591 {strides = array<i32>} : memref<2x40x128xf32, #tpu.memory_space<vmem>>, vector<1x1x16xf32>,
        %get3A_592 = arith.constant 0 : i32
        %get3A_593 = arith.index_cast %get3A_592 : i32 to index
        %get3A_594 = arith.index_cast %add3A_531 : i32 to index
        %get3A_595 = arith.constant 48 : index
        %get3A_596 = tpu.vector_load %arg9[%get3A_593, %get3A_594, %get3A_595] {strides = array<i32>} : memref<2x40x128xf32, #tpu.memory_space<vmem>>, vector<1x1x16xf32>,
        %get3A_597 = vector.shape_cast %get3A_596 : vector<1x1x16xf32> to vector<16xf32>
        %get3A_598 = arith.constant 0 : i32
        %get3A_599 = arith.index_cast %get3A_598 : i32 to index
        %get3A_600 = arith.index_cast %add3A_531 : i32 to index
        %get3A_601 = arith.constant 48 : index
        %get3A_602 = tpu.vector_load %arg8[%get3A_599, %get3A_600, %get3A_601] {strides = array<i32>} : memref<2x40x128xf32, #tpu.memory_space<vmem>>, vector<1x1x16xf32>,
        %get3A_603 = vector.shape_cast %get3A_602 : vector<1x1x16xf32> to vector<16xf32>
        %sub3A_604 = arith.subf %get3A_597, %get3A_603 : vector<16xf32>
        %swap3A_605 = arith.constant 0 : i32
        %swap3A_606 = arith.index_cast %swap3A_605 : i32 to index
        %swap3A_607 = arith.index_cast %add3A_531 : i32 to index
        %swap3A_608 = arith.constant 48 : index
        %swap3A_609 = tpu.vector_load %arg10[%swap3A_606, %swap3A_607, %swap3A_608] {strides = array<i32>} : memref<2x40x128xf32, #tpu.memory_space<vmem>>, vector<1x1x16xf32>,
        %swap3A_610 = vector.shape_cast %swap3A_609 : vector<1x1x16xf32> to vector<16xf32>
        %swap3A_611 = vector.shape_cast %sub3A_604 : vector<16xf32> to vector<1x1x16xf32>
        tpu.vector_store %arg10[%swap3A_606, %swap3A_607, %swap3A_608], %swap3A_611 {strides = array<i32>} : memref<2x40x128xf32, #tpu.memory_space<vmem>>, vector<1x1x16xf32>,
        %get3A_612 = arith.constant 0 : i32
        %get3A_613 = arith.index_cast %get3A_612 : i32 to index
        %get3A_614 = arith.index_cast %add3A_531 : i32 to index
        %get3A_615 = arith.constant 64 : index
        %get3A_616 = tpu.vector_load %arg9[%get3A_613, %get3A_614, %get3A_615] {strides = array<i32>} : memref<2x40x128xf32, #tpu.memory_space<vmem>>, vector<1x1x16xf32>,
        %get3A_617 = vector.shape_cast %get3A_616 : vector<1x1x16xf32> to vector<16xf32>
        %get3A_618 = arith.constant 0 : i32
        %get3A_619 = arith.index_cast %get3A_618 : i32 to index
        %get3A_620 = arith.index_cast %add3A_531 : i32 to index
        %get3A_621 = arith.constant 64 : index
        %get3A_622 = tpu.vector_load %arg8[%get3A_619, %get3A_620, %get3A_621] {strides = array<i32>} : memref<2x40x128xf32, #tpu.memory_space<vmem>>, vector<1x1x16xf32>,
        %get3A_623 = vector.shape_cast %get3A_622 : vector<1x1x16xf32> to vector<16xf32>
        %sub3A_624 = arith.subf %get3A_617, %get3A_623 : vector<16xf32>
        %swap3A_625 = arith.constant 0 : i32
        %swap3A_626 = arith.index_cast %swap3A_625 : i32 to index
        %swap3A_627 = arith.index_cast %add3A_531 : i32 to index
        %swap3A_628 = arith.constant 64 : index
        %swap3A_629 = tpu.vector_load %arg10[%swap3A_626, %swap3A_627, %swap3A_628] {strides = array<i32>} : memref<2x40x128xf32, #tpu.memory_space<vmem>>, vector<1x1x16xf32>,
        %swap3A_630 = vector.shape_cast %swap3A_629 : vector<1x1x16xf32> to vector<16xf32>
        %swap3A_631 = vector.shape_cast %sub3A_624 : vector<16xf32> to vector<1x1x16xf32>
        tpu.vector_store %arg10[%swap3A_626, %swap3A_627, %swap3A_628], %swap3A_631 {strides = array<i32>} : memref<2x40x128xf32, #tpu.memory_space<vmem>>, vector<1x1x16xf32>,
        %get3A_632 = arith.constant 0 : i32
        %get3A_633 = arith.index_cast %get3A_632 : i32 to index
        %get3A_634 = arith.index_cast %add3A_531 : i32 to index
        %get3A_635 = arith.constant 80 : index
        %get3A_636 = tpu.vector_load %arg9[%get3A_633, %get3A_634, %get3A_635] {strides = array<i32>} : memref<2x40x128xf32, #tpu.memory_space<vmem>>, vector<1x1x16xf32>,
        %get3A_637 = vector.shape_cast %get3A_636 : vector<1x1x16xf32> to vector<16xf32>
        %get3A_638 = arith.constant 0 : i32
        %get3A_639 = arith.index_cast %get3A_638 : i32 to index
        %get3A_640 = arith.index_cast %add3A_531 : i32 to index
        %get3A_641 = arith.constant 80 : index
        %get3A_642 = tpu.vector_load %arg8[%get3A_639, %get3A_640, %get3A_641] {strides = array<i32>} : memref<2x40x128xf32, #tpu.memory_space<vmem>>, vector<1x1x16xf32>,
        %get3A_643 = vector.shape_cast %get3A_642 : vector<1x1x16xf32> to vector<16xf32>
        %sub3A_644 = arith.subf %get3A_637, %get3A_643 : vector<16xf32>
        %swap3A_645 = arith.constant 0 : i32
        %swap3A_646 = arith.index_cast %swap3A_645 : i32 to index
        %swap3A_647 = arith.index_cast %add3A_531 : i32 to index
        %swap3A_648 = arith.constant 80 : index
        %swap3A_649 = tpu.vector_load %arg10[%swap3A_646, %swap3A_647, %swap3A_648] {strides = array<i32>} : memref<2x40x128xf32, #tpu.memory_space<vmem>>, vector<1x1x16xf32>,
        %swap3A_650 = vector.shape_cast %swap3A_649 : vector<1x1x16xf32> to vector<16xf32>
        %swap3A_651 = vector.shape_cast %sub3A_644 : vector<16xf32> to vector<1x1x16xf32>
        tpu.vector_store %arg10[%swap3A_646, %swap3A_647, %swap3A_648], %swap3A_651 {strides = array<i32>} : memref<2x40x128xf32, #tpu.memory_space<vmem>>, vector<1x1x16xf32>,
        %get3A_652 = arith.constant 0 : i32
        %get3A_653 = arith.index_cast %get3A_652 : i32 to index
        %get3A_654 = arith.index_cast %add3A_531 : i32 to index
        %get3A_655 = arith.constant 96 : index
        %get3A_656 = tpu.vector_load %arg9[%get3A_653, %get3A_654, %get3A_655] {strides = array<i32>} : memref<2x40x128xf32, #tpu.memory_space<vmem>>, vector<1x1x16xf32>,
        %get3A_657 = vector.shape_cast %get3A_656 : vector<1x1x16xf32> to vector<16xf32>
        %get3A_658 = arith.constant 0 : i32
        %get3A_659 = arith.index_cast %get3A_658 : i32 to index
        %get3A_660 = arith.index_cast %add3A_531 : i32 to index
        %get3A_661 = arith.constant 96 : index
        %get3A_662 = tpu.vector_load %arg8[%get3A_659, %get3A_660, %get3A_661] {strides = array<i32>} : memref<2x40x128xf32, #tpu.memory_space<vmem>>, vector<1x1x16xf32>,
        %get3A_663 = vector.shape_cast %get3A_662 : vector<1x1x16xf32> to vector<16xf32>
        %sub3A_664 = arith.subf %get3A_657, %get3A_663 : vector<16xf32>
        %swap3A_665 = arith.constant 0 : i32
        %swap3A_666 = arith.index_cast %swap3A_665 : i32 to index
        %swap3A_667 = arith.index_cast %add3A_531 : i32 to index
        %swap3A_668 = arith.constant 96 : index
        %swap3A_669 = tpu.vector_load %arg10[%swap3A_666, %swap3A_667, %swap3A_668] {strides = array<i32>} : memref<2x40x128xf32, #tpu.memory_space<vmem>>, vector<1x1x16xf32>,
        %swap3A_670 = vector.shape_cast %swap3A_669 : vector<1x1x16xf32> to vector<16xf32>
        %swap3A_671 = vector.shape_cast %sub3A_664 : vector<16xf32> to vector<1x1x16xf32>
        tpu.vector_store %arg10[%swap3A_666, %swap3A_667, %swap3A_668], %swap3A_671 {strides = array<i32>} : memref<2x40x128xf32, #tpu.memory_space<vmem>>, vector<1x1x16xf32>,
        %get3A_672 = arith.constant 0 : i32
        %get3A_673 = arith.index_cast %get3A_672 : i32 to index
        %get3A_674 = arith.index_cast %add3A_531 : i32 to index
        %get3A_675 = arith.constant 112 : index
        %get3A_676 = tpu.vector_load %arg9[%get3A_673, %get3A_674, %get3A_675] {strides = array<i32>} : memref<2x40x128xf32, #tpu.memory_space<vmem>>, vector<1x1x16xf32>,
        %get3A_677 = vector.shape_cast %get3A_676 : vector<1x1x16xf32> to vector<16xf32>
        %get3A_678 = arith.constant 0 : i32
        %get3A_679 = arith.index_cast %get3A_678 : i32 to index
        %get3A_680 = arith.index_cast %add3A_531 : i32 to index
        %get3A_681 = arith.constant 112 : index
        %get3A_682 = tpu.vector_load %arg8[%get3A_679, %get3A_680, %get3A_681] {strides = array<i32>} : memref<2x40x128xf32, #tpu.memory_space<vmem>>, vector<1x1x16xf32>,
        %get3A_683 = vector.shape_cast %get3A_682 : vector<1x1x16xf32> to vector<16xf32>
        %sub3A_684 = arith.subf %get3A_677, %get3A_683 : vector<16xf32>
        %swap3A_685 = arith.constant 0 : i32
        %swap3A_686 = arith.index_cast %swap3A_685 : i32 to index
        %swap3A_687 = arith.index_cast %add3A_531 : i32 to index
        %swap3A_688 = arith.constant 112 : index
        %swap3A_689 = tpu.vector_load %arg10[%swap3A_686, %swap3A_687, %swap3A_688] {strides = array<i32>} : memref<2x40x128xf32, #tpu.memory_space<vmem>>, vector<1x1x16xf32>,
        %swap3A_690 = vector.shape_cast %swap3A_689 : vector<1x1x16xf32> to vector<16xf32>
        %swap3A_691 = vector.shape_cast %sub3A_684 : vector<16xf32> to vector<1x1x16xf32>
        tpu.vector_store %arg10[%swap3A_686, %swap3A_687, %swap3A_688], %swap3A_691 {strides = array<i32>} : memref<2x40x128xf32, #tpu.memory_space<vmem>>, vector<1x1x16xf32>,
        %mul3A_692 = arith.constant 4 : i32
        %mul3A_693 = arith.muli %scan3A_202, %mul3A_692 : i32
        %add3A_694 = arith.constant 3 : i32
        %add3A_695 = arith.addi %mul3A_693, %add3A_694 : i32
        %get3A_696 = arith.constant 0 : i32
        %get3A_697 = arith.index_cast %get3A_696 : i32 to index
        %get3A_698 = arith.index_cast %add3A_695 : i32 to index
        %get3A_699 = arith.constant 0 : index
        %get3A_700 = tpu.vector_load %arg9[%get3A_697, %get3A_698, %get3A_699] {strides = array<i32>} : memref<2x40x128xf32, #tpu.memory_space<vmem>>, vector<1x1x16xf32>,
        %get3A_701 = vector.shape_cast %get3A_700 : vector<1x1x16xf32> to vector<16xf32>
        %get3A_702 = arith.constant 0 : i32
        %get3A_703 = arith.index_cast %get3A_702 : i32 to index
        %get3A_704 = arith.index_cast %add3A_695 : i32 to index
        %get3A_705 = arith.constant 0 : index
        %get3A_706 = tpu.vector_load %arg8[%get3A_703, %get3A_704, %get3A_705] {strides = array<i32>} : memref<2x40x128xf32, #tpu.memory_space<vmem>>, vector<1x1x16xf32>,
        %get3A_707 = vector.shape_cast %get3A_706 : vector<1x1x16xf32> to vector<16xf32>
        %sub3A_708 = arith.subf %get3A_701, %get3A_707 : vector<16xf32>
        %swap3A_709 = arith.constant 0 : i32
        %swap3A_710 = arith.index_cast %swap3A_709 : i32 to index
        %swap3A_711 = arith.index_cast %add3A_695 : i32 to index
        %swap3A_712 = arith.constant 0 : index
        %swap3A_713 = tpu.vector_load %arg10[%swap3A_710, %swap3A_711, %swap3A_712] {strides = array<i32>} : memref<2x40x128xf32, #tpu.memory_space<vmem>>, vector<1x1x16xf32>,
        %swap3A_714 = vector.shape_cast %swap3A_713 : vector<1x1x16xf32> to vector<16xf32>
        %swap3A_715 = vector.shape_cast %sub3A_708 : vector<16xf32> to vector<1x1x16xf32>
        tpu.vector_store %arg10[%swap3A_710, %swap3A_711, %swap3A_712], %swap3A_715 {strides = array<i32>} : memref<2x40x128xf32, #tpu.memory_space<vmem>>, vector<1x1x16xf32>,
        %get3A_716 = arith.constant 0 : i32
        %get3A_717 = arith.index_cast %get3A_716 : i32 to index
        %get3A_718 = arith.index_cast %add3A_695 : i32 to index
        %get3A_719 = arith.constant 16 : index
        %get3A_720 = tpu.vector_load %arg9[%get3A_717, %get3A_718, %get3A_719] {strides = array<i32>} : memref<2x40x128xf32, #tpu.memory_space<vmem>>, vector<1x1x16xf32>,
        %get3A_721 = vector.shape_cast %get3A_720 : vector<1x1x16xf32> to vector<16xf32>
        %get3A_722 = arith.constant 0 : i32
        %get3A_723 = arith.index_cast %get3A_722 : i32 to index
        %get3A_724 = arith.index_cast %add3A_695 : i32 to index
        %get3A_725 = arith.constant 16 : index
        %get3A_726 = tpu.vector_load %arg8[%get3A_723, %get3A_724, %get3A_725] {strides = array<i32>} : memref<2x40x128xf32, #tpu.memory_space<vmem>>, vector<1x1x16xf32>,
        %get3A_727 = vector.shape_cast %get3A_726 : vector<1x1x16xf32> to vector<16xf32>
        %sub3A_728 = arith.subf %get3A_721, %get3A_727 : vector<16xf32>
        %swap3A_729 = arith.constant 0 : i32
        %swap3A_730 = arith.index_cast %swap3A_729 : i32 to index
        %swap3A_731 = arith.index_cast %add3A_695 : i32 to index
        %swap3A_732 = arith.constant 16 : index
        %swap3A_733 = tpu.vector_load %arg10[%swap3A_730, %swap3A_731, %swap3A_732] {strides = array<i32>} : memref<2x40x128xf32, #tpu.memory_space<vmem>>, vector<1x1x16xf32>,
        %swap3A_734 = vector.shape_cast %swap3A_733 : vector<1x1x16xf32> to vector<16xf32>
        %swap3A_735 = vector.shape_cast %sub3A_728 : vector<16xf32> to vector<1x1x16xf32>
        tpu.vector_store %arg10[%swap3A_730, %swap3A_731, %swap3A_732], %swap3A_735 {strides = array<i32>} : memref<2x40x128xf32, #tpu.memory_space<vmem>>, vector<1x1x16xf32>,
        %get3A_736 = arith.constant 0 : i32
        %get3A_737 = arith.index_cast %get3A_736 : i32 to index
        %get3A_738 = arith.index_cast %add3A_695 : i32 to index
        %get3A_739 = arith.constant 32 : index
        %get3A_740 = tpu.vector_load %arg9[%get3A_737, %get3A_738, %get3A_739] {strides = array<i32>} : memref<2x40x128xf32, #tpu.memory_space<vmem>>, vector<1x1x16xf32>,
        %get3A_741 = vector.shape_cast %get3A_740 : vector<1x1x16xf32> to vector<16xf32>
        %get3A_742 = arith.constant 0 : i32
        %get3A_743 = arith.index_cast %get3A_742 : i32 to index
        %get3A_744 = arith.index_cast %add3A_695 : i32 to index
        %get3A_745 = arith.constant 32 : index
        %get3A_746 = tpu.vector_load %arg8[%get3A_743, %get3A_744, %get3A_745] {strides = array<i32>} : memref<2x40x128xf32, #tpu.memory_space<vmem>>, vector<1x1x16xf32>,
        %get3A_747 = vector.shape_cast %get3A_746 : vector<1x1x16xf32> to vector<16xf32>
        %sub3A_748 = arith.subf %get3A_741, %get3A_747 : vector<16xf32>
        %swap3A_749 = arith.constant 0 : i32
        %swap3A_750 = arith.index_cast %swap3A_749 : i32 to index
        %swap3A_751 = arith.index_cast %add3A_695 : i32 to index
        %swap3A_752 = arith.constant 32 : index
        %swap3A_753 = tpu.vector_load %arg10[%swap3A_750, %swap3A_751, %swap3A_752] {strides = array<i32>} : memref<2x40x128xf32, #tpu.memory_space<vmem>>, vector<1x1x16xf32>,
        %swap3A_754 = vector.shape_cast %swap3A_753 : vector<1x1x16xf32> to vector<16xf32>
        %swap3A_755 = vector.shape_cast %sub3A_748 : vector<16xf32> to vector<1x1x16xf32>
        tpu.vector_store %arg10[%swap3A_750, %swap3A_751, %swap3A_752], %swap3A_755 {strides = array<i32>} : memref<2x40x128xf32, #tpu.memory_space<vmem>>, vector<1x1x16xf32>,
        %get3A_756 = arith.constant 0 : i32
        %get3A_757 = arith.index_cast %get3A_756 : i32 to index
        %get3A_758 = arith.index_cast %add3A_695 : i32 to index
        %get3A_759 = arith.constant 48 : index
        %get3A_760 = tpu.vector_load %arg9[%get3A_757, %get3A_758, %get3A_759] {strides = array<i32>} : memref<2x40x128xf32, #tpu.memory_space<vmem>>, vector<1x1x16xf32>,
        %get3A_761 = vector.shape_cast %get3A_760 : vector<1x1x16xf32> to vector<16xf32>
        %get3A_762 = arith.constant 0 : i32
        %get3A_763 = arith.index_cast %get3A_762 : i32 to index
        %get3A_764 = arith.index_cast %add3A_695 : i32 to index
        %get3A_765 = arith.constant 48 : index
        %get3A_766 = tpu.vector_load %arg8[%get3A_763, %get3A_764, %get3A_765] {strides = array<i32>} : memref<2x40x128xf32, #tpu.memory_space<vmem>>, vector<1x1x16xf32>,
        %get3A_767 = vector.shape_cast %get3A_766 : vector<1x1x16xf32> to vector<16xf32>
        %sub3A_768 = arith.subf %get3A_761, %get3A_767 : vector<16xf32>
        %swap3A_769 = arith.constant 0 : i32
        %swap3A_770 = arith.index_cast %swap3A_769 : i32 to index
        %swap3A_771 = arith.index_cast %add3A_695 : i32 to index
        %swap3A_772 = arith.constant 48 : index
        %swap3A_773 = tpu.vector_load %arg10[%swap3A_770, %swap3A_771, %swap3A_772] {strides = array<i32>} : memref<2x40x128xf32, #tpu.memory_space<vmem>>, vector<1x1x16xf32>,
        %swap3A_774 = vector.shape_cast %swap3A_773 : vector<1x1x16xf32> to vector<16xf32>
        %swap3A_775 = vector.shape_cast %sub3A_768 : vector<16xf32> to vector<1x1x16xf32>
        tpu.vector_store %arg10[%swap3A_770, %swap3A_771, %swap3A_772], %swap3A_775 {strides = array<i32>} : memref<2x40x128xf32, #tpu.memory_space<vmem>>, vector<1x1x16xf32>,
        %get3A_776 = arith.constant 0 : i32
        %get3A_777 = arith.index_cast %get3A_776 : i32 to index
        %get3A_778 = arith.index_cast %add3A_695 : i32 to index
        %get3A_779 = arith.constant 64 : index
        %get3A_780 = tpu.vector_load %arg9[%get3A_777, %get3A_778, %get3A_779] {strides = array<i32>} : memref<2x40x128xf32, #tpu.memory_space<vmem>>, vector<1x1x16xf32>,
        %get3A_781 = vector.shape_cast %get3A_780 : vector<1x1x16xf32> to vector<16xf32>
        %get3A_782 = arith.constant 0 : i32
        %get3A_783 = arith.index_cast %get3A_782 : i32 to index
        %get3A_784 = arith.index_cast %add3A_695 : i32 to index
        %get3A_785 = arith.constant 64 : index
        %get3A_786 = tpu.vector_load %arg8[%get3A_783, %get3A_784, %get3A_785] {strides = array<i32>} : memref<2x40x128xf32, #tpu.memory_space<vmem>>, vector<1x1x16xf32>,
        %get3A_787 = vector.shape_cast %get3A_786 : vector<1x1x16xf32> to vector<16xf32>
        %sub3A_788 = arith.subf %get3A_781, %get3A_787 : vector<16xf32>
        %swap3A_789 = arith.constant 0 : i32
        %swap3A_790 = arith.index_cast %swap3A_789 : i32 to index
        %swap3A_791 = arith.index_cast %add3A_695 : i32 to index
        %swap3A_792 = arith.constant 64 : index
        %swap3A_793 = tpu.vector_load %arg10[%swap3A_790, %swap3A_791, %swap3A_792] {strides = array<i32>} : memref<2x40x128xf32, #tpu.memory_space<vmem>>, vector<1x1x16xf32>,
        %swap3A_794 = vector.shape_cast %swap3A_793 : vector<1x1x16xf32> to vector<16xf32>
        %swap3A_795 = vector.shape_cast %sub3A_788 : vector<16xf32> to vector<1x1x16xf32>
        tpu.vector_store %arg10[%swap3A_790, %swap3A_791, %swap3A_792], %swap3A_795 {strides = array<i32>} : memref<2x40x128xf32, #tpu.memory_space<vmem>>, vector<1x1x16xf32>,
        %get3A_796 = arith.constant 0 : i32
        %get3A_797 = arith.index_cast %get3A_796 : i32 to index
        %get3A_798 = arith.index_cast %add3A_695 : i32 to index
        %get3A_799 = arith.constant 80 : index
        %get3A_800 = tpu.vector_load %arg9[%get3A_797, %get3A_798, %get3A_799] {strides = array<i32>} : memref<2x40x128xf32, #tpu.memory_space<vmem>>, vector<1x1x16xf32>,
        %get3A_801 = vector.shape_cast %get3A_800 : vector<1x1x16xf32> to vector<16xf32>
        %get3A_802 = arith.constant 0 : i32
        %get3A_803 = arith.index_cast %get3A_802 : i32 to index
        %get3A_804 = arith.index_cast %add3A_695 : i32 to index
        %get3A_805 = arith.constant 80 : index
        %get3A_806 = tpu.vector_load %arg8[%get3A_803, %get3A_804, %get3A_805] {strides = array<i32>} : memref<2x40x128xf32, #tpu.memory_space<vmem>>, vector<1x1x16xf32>,
        %get3A_807 = vector.shape_cast %get3A_806 : vector<1x1x16xf32> to vector<16xf32>
        %sub3A_808 = arith.subf %get3A_801, %get3A_807 : vector<16xf32>
        %swap3A_809 = arith.constant 0 : i32
        %swap3A_810 = arith.index_cast %swap3A_809 : i32 to index
        %swap3A_811 = arith.index_cast %add3A_695 : i32 to index
        %swap3A_812 = arith.constant 80 : index
        %swap3A_813 = tpu.vector_load %arg10[%swap3A_810, %swap3A_811, %swap3A_812] {strides = array<i32>} : memref<2x40x128xf32, #tpu.memory_space<vmem>>, vector<1x1x16xf32>,
        %swap3A_814 = vector.shape_cast %swap3A_813 : vector<1x1x16xf32> to vector<16xf32>
        %swap3A_815 = vector.shape_cast %sub3A_808 : vector<16xf32> to vector<1x1x16xf32>
        tpu.vector_store %arg10[%swap3A_810, %swap3A_811, %swap3A_812], %swap3A_815 {strides = array<i32>} : memref<2x40x128xf32, #tpu.memory_space<vmem>>, vector<1x1x16xf32>,
        %get3A_816 = arith.constant 0 : i32
        %get3A_817 = arith.index_cast %get3A_816 : i32 to index
        %get3A_818 = arith.index_cast %add3A_695 : i32 to index
        %get3A_819 = arith.constant 96 : index
        %get3A_820 = tpu.vector_load %arg9[%get3A_817, %get3A_818, %get3A_819] {strides = array<i32>} : memref<2x40x128xf32, #tpu.memory_space<vmem>>, vector<1x1x16xf32>,
        %get3A_821 = vector.shape_cast %get3A_820 : vector<1x1x16xf32> to vector<16xf32>
        %get3A_822 = arith.constant 0 : i32
        %get3A_823 = arith.index_cast %get3A_822 : i32 to index
        %get3A_824 = arith.index_cast %add3A_695 : i32 to index
        %get3A_825 = arith.constant 96 : index
        %get3A_826 = tpu.vector_load %arg8[%get3A_823, %get3A_824, %get3A_825] {strides = array<i32>} : memref<2x40x128xf32, #tpu.memory_space<vmem>>, vector<1x1x16xf32>,
        %get3A_827 = vector.shape_cast %get3A_826 : vector<1x1x16xf32> to vector<16xf32>
        %sub3A_828 = arith.subf %get3A_821, %get3A_827 : vector<16xf32>
        %swap3A_829 = arith.constant 0 : i32
        %swap3A_830 = arith.index_cast %swap3A_829 : i32 to index
        %swap3A_831 = arith.index_cast %add3A_695 : i32 to index
        %swap3A_832 = arith.constant 96 : index
        %swap3A_833 = tpu.vector_load %arg10[%swap3A_830, %swap3A_831, %swap3A_832] {strides = array<i32>} : memref<2x40x128xf32, #tpu.memory_space<vmem>>, vector<1x1x16xf32>,
        %swap3A_834 = vector.shape_cast %swap3A_833 : vector<1x1x16xf32> to vector<16xf32>
        %swap3A_835 = vector.shape_cast %sub3A_828 : vector<16xf32> to vector<1x1x16xf32>
        tpu.vector_store %arg10[%swap3A_830, %swap3A_831, %swap3A_832], %swap3A_835 {strides = array<i32>} : memref<2x40x128xf32, #tpu.memory_space<vmem>>, vector<1x1x16xf32>,
        %get3A_836 = arith.constant 0 : i32
        %get3A_837 = arith.index_cast %get3A_836 : i32 to index
        %get3A_838 = arith.index_cast %add3A_695 : i32 to index
        %get3A_839 = arith.constant 112 : index
        %get3A_840 = tpu.vector_load %arg9[%get3A_837, %get3A_838, %get3A_839] {strides = array<i32>} : memref<2x40x128xf32, #tpu.memory_space<vmem>>, vector<1x1x16xf32>,
        %get3A_841 = vector.shape_cast %get3A_840 : vector<1x1x16xf32> to vector<16xf32>
        %get3A_842 = arith.constant 0 : i32
        %get3A_843 = arith.index_cast %get3A_842 : i32 to index
        %get3A_844 = arith.index_cast %add3A_695 : i32 to index
        %get3A_845 = arith.constant 112 : index
        %get3A_846 = tpu.vector_load %arg8[%get3A_843, %get3A_844, %get3A_845] {strides = array<i32>} : memref<2x40x128xf32, #tpu.memory_space<vmem>>, vector<1x1x16xf32>,
        %get3A_847 = vector.shape_cast %get3A_846 : vector<1x1x16xf32> to vector<16xf32>
        %sub3A_848 = arith.subf %get3A_841, %get3A_847 : vector<16xf32>
        %swap3A_849 = arith.constant 0 : i32
        %swap3A_850 = arith.index_cast %swap3A_849 : i32 to index
        %swap3A_851 = arith.index_cast %add3A_695 : i32 to index
        %swap3A_852 = arith.constant 112 : index
        %swap3A_853 = tpu.vector_load %arg10[%swap3A_850, %swap3A_851, %swap3A_852] {strides = array<i32>} : memref<2x40x128xf32, #tpu.memory_space<vmem>>, vector<1x1x16xf32>,
        %swap3A_854 = vector.shape_cast %swap3A_853 : vector<1x1x16xf32> to vector<16xf32>
        %swap3A_855 = vector.shape_cast %sub3A_848 : vector<16xf32> to vector<1x1x16xf32>
        tpu.vector_store %arg10[%swap3A_850, %swap3A_851, %swap3A_852], %swap3A_855 {strides = array<i32>} : memref<2x40x128xf32, #tpu.memory_space<vmem>>, vector<1x1x16xf32>,
      }
      %scan3A_120 = arith.constant 10 : i32
      %mul3A_121 = arith.constant 40 : i32
      %mul3A_122 = arith.muli %add3A_90, %mul3A_121 : i32
      %add3A_123 = arith.addi %mul3A_2, %mul3A_122 : i32
      %dma_start3A_124 = arith.constant 0 : i32
      %dma_start3A_125 = arith.constant 0 : i32
      %dma_start3A_126 = arith.constant 0 : i32
      %dma_start3A_127 = tpu.memref_slice %arg10[%dma_start3A_124, %dma_start3A_125, %dma_start3A_126] : memref<2x40x128xf32, #tpu.memory_space<vmem>> -> memref<1x40x128xf32, #tpu.memory_space<vmem>>
      %dma_start3A_128 = tpu.memref_squeeze %dma_start3A_127 : memref<1x40x128xf32, #tpu.memory_space<vmem>> -> memref<40x128xf32, #tpu.memory_space<vmem>>
      %dma_start3A_129 = arith.constant 0 : i32
      %dma_start3A_130 = tpu.memref_slice %arg5[%add3A_123, %dma_start3A_129] : memref<320000x128xf32, #tpu.memory_space<hbm>> -> memref<40x128xf32, #tpu.memory_space<hbm>>
      %dma_start3A_131 = arith.constant 0 : i32
      %dma_start3A_132 = tpu.memref_slice %arg5[%add3A_123, %dma_start3A_131] : memref<320000x128xf32, #tpu.memory_space<hbm>> -> memref<40x128xf32, #tpu.memory_space<hbm>>
      %dma_start3A_133 = arith.constant 0 : i32
      %dma_start3A_134 = arith.constant 0 : i32
      %dma_start3A_135 = tpu.memref_slice %arg10[%dma_start3A_124, %dma_start3A_133, %dma_start3A_134] : memref<2x40x128xf32, #tpu.memory_space<vmem>> -> memref<1x40x128xf32, #tpu.memory_space<vmem>>
      %dma_start3A_136 = tpu.memref_squeeze %dma_start3A_135 : memref<1x40x128xf32, #tpu.memory_space<vmem>> -> memref<40x128xf32, #tpu.memory_space<vmem>>
      tpu.enqueue_dma source(%dma_start3A_136 : memref<40x128xf32, #tpu.memory_space<vmem>>) target(%dma_start3A_132 : memref<40x128xf32, #tpu.memory_space<hbm>>) target_semaphore(%arg18 : memref<!tpu.dma_semaphore, #tpu.memory_space<semaphore_mem>>)
      %add3A_137 = arith.constant 2 : i32
      %add3A_138 = arith.addi %add3A_90, %add3A_137 : i32
      %lt3A_139 = arith.constant 250 : i32
      %lt3A_140 = arith.cmpi slt, %add3A_138, %lt3A_139 : i32
      %convert_element_type3A_141 = arith.extui %lt3A_140 : i1 to i32
      %cond3A_142 = arith.constant 0 : i32
      %cond3A_143 = arith.cmpi ne, %convert_element_type3A_141, %cond3A_142 : i32
      scf.if %cond3A_143 {
        %add3A_202 = arith.constant 2 : i32
        %add3A_203 = arith.addi %add3A_90, %add3A_202 : i32
        %mul3A_204 = arith.constant 40 : i32
        %mul3A_205 = arith.muli %add3A_203, %mul3A_204 : i32
        %dma_start3A_206 = arith.constant 0 : i32
        %dma_start3A_207 = arith.constant 0 : i32
        %dma_start3A_208 = arith.constant 0 : i32
        %dma_start3A_209 = tpu.memref_slice %arg8[%dma_start3A_206, %dma_start3A_207, %dma_start3A_208] : memref<2x40x128xf32, #tpu.memory_space<vmem>> -> memref<1x40x128xf32, #tpu.memory_space<vmem>>
        %dma_start3A_210 = tpu.memref_squeeze %dma_start3A_209 : memref<1x40x128xf32, #tpu.memory_space<vmem>> -> memref<40x128xf32, #tpu.memory_space<vmem>>
        %dma_start3A_211 = tpu.memref_slice %arg6[%mul3A_205] : memref<10000xi32, #tpu.memory_space<vmem>> -> memref<40xi32, #tpu.memory_space<vmem>>
        %dma_start3A_212 = arith.constant 0 : i32
        %dma_start3A_213 = arith.constant 0 : i32
        %dma_start3A_214 = tpu.memref_slice %arg11[%dma_start3A_212, %dma_start3A_213] : memref<10000x128xf32, #tpu.memory_space<vmem_shared>> -> memref<10000x128xf32, #tpu.memory_space<vmem_shared>>
        tpu.enqueue_indirect_dma source(%dma_start3A_214 : memref<10000x128xf32, #tpu.memory_space<vmem_shared>>) target(%dma_start3A_210 : memref<40x128xf32, #tpu.memory_space<vmem>>) offsets(%dma_start3A_211 : memref<40xi32, #tpu.memory_space<vmem>>) semaphore(%arg14 : memref<!tpu.dma_semaphore, #tpu.memory_space<semaphore_mem>>)
        %mul3A_215 = arith.constant 40 : i32
        %mul3A_216 = arith.muli %add3A_203, %mul3A_215 : i32
        %dma_start3A_217 = arith.constant 0 : i32
        %dma_start3A_218 = arith.constant 0 : i32
        %dma_start3A_219 = arith.constant 0 : i32
        %dma_start3A_220 = tpu.memref_slice %arg9[%dma_start3A_217, %dma_start3A_218, %dma_start3A_219] : memref<2x40x128xf32, #tpu.memory_space<vmem>> -> memref<1x40x128xf32, #tpu.memory_space<vmem>>
        %dma_start3A_221 = tpu.memref_squeeze %dma_start3A_220 : memref<1x40x128xf32, #tpu.memory_space<vmem>> -> memref<40x128xf32, #tpu.memory_space<vmem>>
        %dma_start3A_222 = tpu.memref_slice %arg7[%mul3A_216] : memref<10000xi32, #tpu.memory_space<vmem>> -> memref<40xi32, #tpu.memory_space<vmem>>
        %dma_start3A_223 = arith.constant 0 : i32
        %dma_start3A_224 = arith.constant 0 : i32
        %dma_start3A_225 = tpu.memref_slice %arg11[%dma_start3A_223, %dma_start3A_224] : memref<10000x128xf32, #tpu.memory_space<vmem_shared>> -> memref<10000x128xf32, #tpu.memory_space<vmem_shared>>
        tpu.enqueue_indirect_dma source(%dma_start3A_225 : memref<10000x128xf32, #tpu.memory_space<vmem_shared>>) target(%dma_start3A_221 : memref<40x128xf32, #tpu.memory_space<vmem>>) offsets(%dma_start3A_222 : memref<40xi32, #tpu.memory_space<vmem>>) semaphore(%arg16 : memref<!tpu.dma_semaphore, #tpu.memory_space<semaphore_mem>>)
      } else {
      }
      %mul3A_144 = arith.constant 2 : i32
      %mul3A_145 = arith.muli %scan3A_86, %mul3A_144 : i32
      %add3A_146 = arith.constant 1 : i32
      %add3A_147 = arith.addi %mul3A_145, %add3A_146 : i32
      %dma_wait3A_148 = arith.constant 1 : i32
      %dma_wait3A_149 = arith.constant 0 : i32
      %dma_wait3A_150 = arith.constant 0 : i32
      %dma_wait3A_151 = tpu.memref_slice %arg8[%dma_wait3A_148, %dma_wait3A_149, %dma_wait3A_150] : memref<2x40x128xf32, #tpu.memory_space<vmem>> -> memref<1x40x128xf32, #tpu.memory_space<vmem>>
      %dma_wait3A_152 = tpu.memref_squeeze %dma_wait3A_151 : memref<1x40x128xf32, #tpu.memory_space<vmem>> -> memref<40x128xf32, #tpu.memory_space<vmem>>
      %dma_wait3A_153 = arith.constant 0 : i32
      %dma_wait3A_154 = tpu.memref_slice %arg6[%dma_wait3A_153] : memref<10000xi32, #tpu.memory_space<vmem>> -> memref<40xi32, #tpu.memory_space<vmem>>
      %dma_wait3A_155 = arith.constant 0 : i32
      %dma_wait3A_156 = arith.constant 0 : i32
      %dma_wait3A_157 = tpu.memref_slice %arg11[%dma_wait3A_155, %dma_wait3A_156] : memref<10000x128xf32, #tpu.memory_space<vmem_shared>> -> memref<10000x128xf32, #tpu.memory_space<vmem_shared>>
      tpu.wait_indirect_dma semaphore(%arg15 : memref<!tpu.dma_semaphore, #tpu.memory_space<semaphore_mem>>) src(%dma_wait3A_157 : memref<10000x128xf32, #tpu.memory_space<vmem_shared>>) dst(%dma_wait3A_152 : memref<40x128xf32, #tpu.memory_space<vmem>>)
      %dma_wait3A_158 = arith.constant 1 : i32
      %dma_wait3A_159 = arith.constant 0 : i32
      %dma_wait3A_160 = arith.constant 0 : i32
      %dma_wait3A_161 = tpu.memref_slice %arg9[%dma_wait3A_158, %dma_wait3A_159, %dma_wait3A_160] : memref<2x40x128xf32, #tpu.memory_space<vmem>> -> memref<1x40x128xf32, #tpu.memory_space<vmem>>
      %dma_wait3A_162 = tpu.memref_squeeze %dma_wait3A_161 : memref<1x40x128xf32, #tpu.memory_space<vmem>> -> memref<40x128xf32, #tpu.memory_space<vmem>>
      %dma_wait3A_163 = arith.constant 0 : i32
      %dma_wait3A_164 = tpu.memref_slice %arg7[%dma_wait3A_163] : memref<10000xi32, #tpu.memory_space<vmem>> -> memref<40xi32, #tpu.memory_space<vmem>>
      %dma_wait3A_165 = arith.constant 0 : i32
      %dma_wait3A_166 = arith.constant 0 : i32
      %dma_wait3A_167 = tpu.memref_slice %arg11[%dma_wait3A_165, %dma_wait3A_166] : memref<10000x128xf32, #tpu.memory_space<vmem_shared>> -> memref<10000x128xf32, #tpu.memory_space<vmem_shared>>
      tpu.wait_indirect_dma semaphore(%arg17 : memref<!tpu.dma_semaphore, #tpu.memory_space<semaphore_mem>>) src(%dma_wait3A_167 : memref<10000x128xf32, #tpu.memory_space<vmem_shared>>) dst(%dma_wait3A_162 : memref<40x128xf32, #tpu.memory_space<vmem>>)
      %ge3A_168 = arith.constant 2 : i32
      %ge3A_169 = arith.cmpi sge, %add3A_147, %ge3A_168 : i32
      %convert_element_type3A_170 = arith.extui %ge3A_169 : i1 to i32
      %cond3A_171 = arith.constant 0 : i32
      %cond3A_172 = arith.cmpi ne, %convert_element_type3A_170, %cond3A_171 : i32
      scf.if %cond3A_172 {
        %dma_wait3A_202 = arith.constant 1 : i32
        %dma_wait3A_203 = arith.constant 0 : i32
        %dma_wait3A_204 = arith.constant 0 : i32
        %dma_wait3A_205 = tpu.memref_slice %arg10[%dma_wait3A_202, %dma_wait3A_203, %dma_wait3A_204] : memref<2x40x128xf32, #tpu.memory_space<vmem>> -> memref<1x40x128xf32, #tpu.memory_space<vmem>>
        %dma_wait3A_206 = tpu.memref_squeeze %dma_wait3A_205 : memref<1x40x128xf32, #tpu.memory_space<vmem>> -> memref<40x128xf32, #tpu.memory_space<vmem>>
        %dma_wait3A_207 = arith.constant 0 : i32
        %dma_wait3A_208 = tpu.memref_slice %arg5[%mul3A_2, %dma_wait3A_207] : memref<320000x128xf32, #tpu.memory_space<hbm>> -> memref<40x128xf32, #tpu.memory_space<hbm>>
        %dma_wait3A_209 = arith.constant 0 : i32
        %dma_wait3A_210 = tpu.memref_slice %arg5[%mul3A_2, %dma_wait3A_209] : memref<320000x128xf32, #tpu.memory_space<hbm>> -> memref<40x128xf32, #tpu.memory_space<hbm>>
        %dma_wait3A_211 = arith.constant 0 : i32
        %dma_wait3A_212 = arith.constant 0 : i32
        %dma_wait3A_213 = tpu.memref_slice %arg10[%dma_wait3A_202, %dma_wait3A_211, %dma_wait3A_212] : memref<2x40x128xf32, #tpu.memory_space<vmem>> -> memref<1x40x128xf32, #tpu.memory_space<vmem>>
        %dma_wait3A_214 = tpu.memref_squeeze %dma_wait3A_213 : memref<1x40x128xf32, #tpu.memory_space<vmem>> -> memref<40x128xf32, #tpu.memory_space<vmem>>
        tpu.wait_dma2 semaphore(%arg19 : memref<!tpu.dma_semaphore, #tpu.memory_space<semaphore_mem>>) src(%dma_wait3A_214 : memref<40x128xf32, #tpu.memory_space<vmem>>) dst(%dma_wait3A_210 : memref<40x128xf32, #tpu.memory_space<hbm>>)
      } else {
      }
      %scan3A_173 = arith.constant 0 : i32
      %scan3A_174 = arith.constant 0 : i32
      %scan3A_175 = arith.constant 10 : i32
      %scan3A_176 = arith.addi %scan3A_174, %scan3A_175 : i32
      %scan3A_177 = arith.constant 1 : i32
      scf.for %scan3A_202 = %scan3A_174 to %scan3A_176 step %scan3A_177  : i32 {
        %mul3A_203 = arith.constant 4 : i32
        %mul3A_204 = arith.muli %scan3A_202, %mul3A_203 : i32
        %add3A_205 = arith.constant 0 : i32
        %add3A_206 = arith.addi %mul3A_204, %add3A_205 : i32
        %get3A = arith.constant 1 : i32
        %get3A_207 = arith.index_cast %get3A : i32 to index
        %get3A_208 = arith.index_cast %add3A_206 : i32 to index
        %get3A_209 = arith.constant 0 : index
        %get3A_210 = tpu.vector_load %arg9[%get3A_207, %get3A_208, %get3A_209] {strides = array<i32>} : memref<2x40x128xf32, #tpu.memory_space<vmem>>, vector<1x1x16xf32>,
        %get3A_211 = vector.shape_cast %get3A_210 : vector<1x1x16xf32> to vector<16xf32>
        %get3A_212 = arith.constant 1 : i32
        %get3A_213 = arith.index_cast %get3A_212 : i32 to index
        %get3A_214 = arith.index_cast %add3A_206 : i32 to index
        %get3A_215 = arith.constant 0 : index
        %get3A_216 = tpu.vector_load %arg8[%get3A_213, %get3A_214, %get3A_215] {strides = array<i32>} : memref<2x40x128xf32, #tpu.memory_space<vmem>>, vector<1x1x16xf32>,
        %get3A_217 = vector.shape_cast %get3A_216 : vector<1x1x16xf32> to vector<16xf32>
        %sub3A = arith.subf %get3A_211, %get3A_217 : vector<16xf32>
        %swap3A = arith.constant 1 : i32
        %swap3A_218 = arith.index_cast %swap3A : i32 to index
        %swap3A_219 = arith.index_cast %add3A_206 : i32 to index
        %swap3A_220 = arith.constant 0 : index
        %swap3A_221 = tpu.vector_load %arg10[%swap3A_218, %swap3A_219, %swap3A_220] {strides = array<i32>} : memref<2x40x128xf32, #tpu.memory_space<vmem>>, vector<1x1x16xf32>,
        %swap3A_222 = vector.shape_cast %swap3A_221 : vector<1x1x16xf32> to vector<16xf32>
        %swap3A_223 = vector.shape_cast %sub3A : vector<16xf32> to vector<1x1x16xf32>
        tpu.vector_store %arg10[%swap3A_218, %swap3A_219, %swap3A_220], %swap3A_223 {strides = array<i32>} : memref<2x40x128xf32, #tpu.memory_space<vmem>>, vector<1x1x16xf32>,
        %get3A_224 = arith.constant 1 : i32
        %get3A_225 = arith.index_cast %get3A_224 : i32 to index
        %get3A_226 = arith.index_cast %add3A_206 : i32 to index
        %get3A_227 = arith.constant 16 : index
        %get3A_228 = tpu.vector_load %arg9[%get3A_225, %get3A_226, %get3A_227] {strides = array<i32>} : memref<2x40x128xf32, #tpu.memory_space<vmem>>, vector<1x1x16xf32>,
        %get3A_229 = vector.shape_cast %get3A_228 : vector<1x1x16xf32> to vector<16xf32>
        %get3A_230 = arith.constant 1 : i32
        %get3A_231 = arith.index_cast %get3A_230 : i32 to index
        %get3A_232 = arith.index_cast %add3A_206 : i32 to index
        %get3A_233 = arith.constant 16 : index
        %get3A_234 = tpu.vector_load %arg8[%get3A_231, %get3A_232, %get3A_233] {strides = array<i32>} : memref<2x40x128xf32, #tpu.memory_space<vmem>>, vector<1x1x16xf32>,
        %get3A_235 = vector.shape_cast %get3A_234 : vector<1x1x16xf32> to vector<16xf32>
        %sub3A_236 = arith.subf %get3A_229, %get3A_235 : vector<16xf32>
        %swap3A_237 = arith.constant 1 : i32
        %swap3A_238 = arith.index_cast %swap3A_237 : i32 to index
        %swap3A_239 = arith.index_cast %add3A_206 : i32 to index
        %swap3A_240 = arith.constant 16 : index
        %swap3A_241 = tpu.vector_load %arg10[%swap3A_238, %swap3A_239, %swap3A_240] {strides = array<i32>} : memref<2x40x128xf32, #tpu.memory_space<vmem>>, vector<1x1x16xf32>,
        %swap3A_242 = vector.shape_cast %swap3A_241 : vector<1x1x16xf32> to vector<16xf32>
        %swap3A_243 = vector.shape_cast %sub3A_236 : vector<16xf32> to vector<1x1x16xf32>
        tpu.vector_store %arg10[%swap3A_238, %swap3A_239, %swap3A_240], %swap3A_243 {strides = array<i32>} : memref<2x40x128xf32, #tpu.memory_space<vmem>>, vector<1x1x16xf32>,
        %get3A_244 = arith.constant 1 : i32
        %get3A_245 = arith.index_cast %get3A_244 : i32 to index
        %get3A_246 = arith.index_cast %add3A_206 : i32 to index
        %get3A_247 = arith.constant 32 : index
        %get3A_248 = tpu.vector_load %arg9[%get3A_245, %get3A_246, %get3A_247] {strides = array<i32>} : memref<2x40x128xf32, #tpu.memory_space<vmem>>, vector<1x1x16xf32>,
        %get3A_249 = vector.shape_cast %get3A_248 : vector<1x1x16xf32> to vector<16xf32>
        %get3A_250 = arith.constant 1 : i32
        %get3A_251 = arith.index_cast %get3A_250 : i32 to index
        %get3A_252 = arith.index_cast %add3A_206 : i32 to index
        %get3A_253 = arith.constant 32 : index
        %get3A_254 = tpu.vector_load %arg8[%get3A_251, %get3A_252, %get3A_253] {strides = array<i32>} : memref<2x40x128xf32, #tpu.memory_space<vmem>>, vector<1x1x16xf32>,
        %get3A_255 = vector.shape_cast %get3A_254 : vector<1x1x16xf32> to vector<16xf32>
        %sub3A_256 = arith.subf %get3A_249, %get3A_255 : vector<16xf32>
        %swap3A_257 = arith.constant 1 : i32
        %swap3A_258 = arith.index_cast %swap3A_257 : i32 to index
        %swap3A_259 = arith.index_cast %add3A_206 : i32 to index
        %swap3A_260 = arith.constant 32 : index
        %swap3A_261 = tpu.vector_load %arg10[%swap3A_258, %swap3A_259, %swap3A_260] {strides = array<i32>} : memref<2x40x128xf32, #tpu.memory_space<vmem>>, vector<1x1x16xf32>,
        %swap3A_262 = vector.shape_cast %swap3A_261 : vector<1x1x16xf32> to vector<16xf32>
        %swap3A_263 = vector.shape_cast %sub3A_256 : vector<16xf32> to vector<1x1x16xf32>
        tpu.vector_store %arg10[%swap3A_258, %swap3A_259, %swap3A_260], %swap3A_263 {strides = array<i32>} : memref<2x40x128xf32, #tpu.memory_space<vmem>>, vector<1x1x16xf32>,
        %get3A_264 = arith.constant 1 : i32
        %get3A_265 = arith.index_cast %get3A_264 : i32 to index
        %get3A_266 = arith.index_cast %add3A_206 : i32 to index
        %get3A_267 = arith.constant 48 : index
        %get3A_268 = tpu.vector_load %arg9[%get3A_265, %get3A_266, %get3A_267] {strides = array<i32>} : memref<2x40x128xf32, #tpu.memory_space<vmem>>, vector<1x1x16xf32>,
        %get3A_269 = vector.shape_cast %get3A_268 : vector<1x1x16xf32> to vector<16xf32>
        %get3A_270 = arith.constant 1 : i32
        %get3A_271 = arith.index_cast %get3A_270 : i32 to index
        %get3A_272 = arith.index_cast %add3A_206 : i32 to index
        %get3A_273 = arith.constant 48 : index
        %get3A_274 = tpu.vector_load %arg8[%get3A_271, %get3A_272, %get3A_273] {strides = array<i32>} : memref<2x40x128xf32, #tpu.memory_space<vmem>>, vector<1x1x16xf32>,
        %get3A_275 = vector.shape_cast %get3A_274 : vector<1x1x16xf32> to vector<16xf32>
        %sub3A_276 = arith.subf %get3A_269, %get3A_275 : vector<16xf32>
        %swap3A_277 = arith.constant 1 : i32
        %swap3A_278 = arith.index_cast %swap3A_277 : i32 to index
        %swap3A_279 = arith.index_cast %add3A_206 : i32 to index
        %swap3A_280 = arith.constant 48 : index
        %swap3A_281 = tpu.vector_load %arg10[%swap3A_278, %swap3A_279, %swap3A_280] {strides = array<i32>} : memref<2x40x128xf32, #tpu.memory_space<vmem>>, vector<1x1x16xf32>,
        %swap3A_282 = vector.shape_cast %swap3A_281 : vector<1x1x16xf32> to vector<16xf32>
        %swap3A_283 = vector.shape_cast %sub3A_276 : vector<16xf32> to vector<1x1x16xf32>
        tpu.vector_store %arg10[%swap3A_278, %swap3A_279, %swap3A_280], %swap3A_283 {strides = array<i32>} : memref<2x40x128xf32, #tpu.memory_space<vmem>>, vector<1x1x16xf32>,
        %get3A_284 = arith.constant 1 : i32
        %get3A_285 = arith.index_cast %get3A_284 : i32 to index
        %get3A_286 = arith.index_cast %add3A_206 : i32 to index
        %get3A_287 = arith.constant 64 : index
        %get3A_288 = tpu.vector_load %arg9[%get3A_285, %get3A_286, %get3A_287] {strides = array<i32>} : memref<2x40x128xf32, #tpu.memory_space<vmem>>, vector<1x1x16xf32>,
        %get3A_289 = vector.shape_cast %get3A_288 : vector<1x1x16xf32> to vector<16xf32>
        %get3A_290 = arith.constant 1 : i32
        %get3A_291 = arith.index_cast %get3A_290 : i32 to index
        %get3A_292 = arith.index_cast %add3A_206 : i32 to index
        %get3A_293 = arith.constant 64 : index
        %get3A_294 = tpu.vector_load %arg8[%get3A_291, %get3A_292, %get3A_293] {strides = array<i32>} : memref<2x40x128xf32, #tpu.memory_space<vmem>>, vector<1x1x16xf32>,
        %get3A_295 = vector.shape_cast %get3A_294 : vector<1x1x16xf32> to vector<16xf32>
        %sub3A_296 = arith.subf %get3A_289, %get3A_295 : vector<16xf32>
        %swap3A_297 = arith.constant 1 : i32
        %swap3A_298 = arith.index_cast %swap3A_297 : i32 to index
        %swap3A_299 = arith.index_cast %add3A_206 : i32 to index
        %swap3A_300 = arith.constant 64 : index
        %swap3A_301 = tpu.vector_load %arg10[%swap3A_298, %swap3A_299, %swap3A_300] {strides = array<i32>} : memref<2x40x128xf32, #tpu.memory_space<vmem>>, vector<1x1x16xf32>,
        %swap3A_302 = vector.shape_cast %swap3A_301 : vector<1x1x16xf32> to vector<16xf32>
        %swap3A_303 = vector.shape_cast %sub3A_296 : vector<16xf32> to vector<1x1x16xf32>
        tpu.vector_store %arg10[%swap3A_298, %swap3A_299, %swap3A_300], %swap3A_303 {strides = array<i32>} : memref<2x40x128xf32, #tpu.memory_space<vmem>>, vector<1x1x16xf32>,
        %get3A_304 = arith.constant 1 : i32
        %get3A_305 = arith.index_cast %get3A_304 : i32 to index
        %get3A_306 = arith.index_cast %add3A_206 : i32 to index
        %get3A_307 = arith.constant 80 : index
        %get3A_308 = tpu.vector_load %arg9[%get3A_305, %get3A_306, %get3A_307] {strides = array<i32>} : memref<2x40x128xf32, #tpu.memory_space<vmem>>, vector<1x1x16xf32>,
        %get3A_309 = vector.shape_cast %get3A_308 : vector<1x1x16xf32> to vector<16xf32>
        %get3A_310 = arith.constant 1 : i32
        %get3A_311 = arith.index_cast %get3A_310 : i32 to index
        %get3A_312 = arith.index_cast %add3A_206 : i32 to index
        %get3A_313 = arith.constant 80 : index
        %get3A_314 = tpu.vector_load %arg8[%get3A_311, %get3A_312, %get3A_313] {strides = array<i32>} : memref<2x40x128xf32, #tpu.memory_space<vmem>>, vector<1x1x16xf32>,
        %get3A_315 = vector.shape_cast %get3A_314 : vector<1x1x16xf32> to vector<16xf32>
        %sub3A_316 = arith.subf %get3A_309, %get3A_315 : vector<16xf32>
        %swap3A_317 = arith.constant 1 : i32
        %swap3A_318 = arith.index_cast %swap3A_317 : i32 to index
        %swap3A_319 = arith.index_cast %add3A_206 : i32 to index
        %swap3A_320 = arith.constant 80 : index
        %swap3A_321 = tpu.vector_load %arg10[%swap3A_318, %swap3A_319, %swap3A_320] {strides = array<i32>} : memref<2x40x128xf32, #tpu.memory_space<vmem>>, vector<1x1x16xf32>,
        %swap3A_322 = vector.shape_cast %swap3A_321 : vector<1x1x16xf32> to vector<16xf32>
        %swap3A_323 = vector.shape_cast %sub3A_316 : vector<16xf32> to vector<1x1x16xf32>
        tpu.vector_store %arg10[%swap3A_318, %swap3A_319, %swap3A_320], %swap3A_323 {strides = array<i32>} : memref<2x40x128xf32, #tpu.memory_space<vmem>>, vector<1x1x16xf32>,
        %get3A_324 = arith.constant 1 : i32
        %get3A_325 = arith.index_cast %get3A_324 : i32 to index
        %get3A_326 = arith.index_cast %add3A_206 : i32 to index
        %get3A_327 = arith.constant 96 : index
        %get3A_328 = tpu.vector_load %arg9[%get3A_325, %get3A_326, %get3A_327] {strides = array<i32>} : memref<2x40x128xf32, #tpu.memory_space<vmem>>, vector<1x1x16xf32>,
        %get3A_329 = vector.shape_cast %get3A_328 : vector<1x1x16xf32> to vector<16xf32>
        %get3A_330 = arith.constant 1 : i32
        %get3A_331 = arith.index_cast %get3A_330 : i32 to index
        %get3A_332 = arith.index_cast %add3A_206 : i32 to index
        %get3A_333 = arith.constant 96 : index
        %get3A_334 = tpu.vector_load %arg8[%get3A_331, %get3A_332, %get3A_333] {strides = array<i32>} : memref<2x40x128xf32, #tpu.memory_space<vmem>>, vector<1x1x16xf32>,
        %get3A_335 = vector.shape_cast %get3A_334 : vector<1x1x16xf32> to vector<16xf32>
        %sub3A_336 = arith.subf %get3A_329, %get3A_335 : vector<16xf32>
        %swap3A_337 = arith.constant 1 : i32
        %swap3A_338 = arith.index_cast %swap3A_337 : i32 to index
        %swap3A_339 = arith.index_cast %add3A_206 : i32 to index
        %swap3A_340 = arith.constant 96 : index
        %swap3A_341 = tpu.vector_load %arg10[%swap3A_338, %swap3A_339, %swap3A_340] {strides = array<i32>} : memref<2x40x128xf32, #tpu.memory_space<vmem>>, vector<1x1x16xf32>,
        %swap3A_342 = vector.shape_cast %swap3A_341 : vector<1x1x16xf32> to vector<16xf32>
        %swap3A_343 = vector.shape_cast %sub3A_336 : vector<16xf32> to vector<1x1x16xf32>
        tpu.vector_store %arg10[%swap3A_338, %swap3A_339, %swap3A_340], %swap3A_343 {strides = array<i32>} : memref<2x40x128xf32, #tpu.memory_space<vmem>>, vector<1x1x16xf32>,
        %get3A_344 = arith.constant 1 : i32
        %get3A_345 = arith.index_cast %get3A_344 : i32 to index
        %get3A_346 = arith.index_cast %add3A_206 : i32 to index
        %get3A_347 = arith.constant 112 : index
        %get3A_348 = tpu.vector_load %arg9[%get3A_345, %get3A_346, %get3A_347] {strides = array<i32>} : memref<2x40x128xf32, #tpu.memory_space<vmem>>, vector<1x1x16xf32>,
        %get3A_349 = vector.shape_cast %get3A_348 : vector<1x1x16xf32> to vector<16xf32>
        %get3A_350 = arith.constant 1 : i32
        %get3A_351 = arith.index_cast %get3A_350 : i32 to index
        %get3A_352 = arith.index_cast %add3A_206 : i32 to index
        %get3A_353 = arith.constant 112 : index
        %get3A_354 = tpu.vector_load %arg8[%get3A_351, %get3A_352, %get3A_353] {strides = array<i32>} : memref<2x40x128xf32, #tpu.memory_space<vmem>>, vector<1x1x16xf32>,
        %get3A_355 = vector.shape_cast %get3A_354 : vector<1x1x16xf32> to vector<16xf32>
        %sub3A_356 = arith.subf %get3A_349, %get3A_355 : vector<16xf32>
        %swap3A_357 = arith.constant 1 : i32
        %swap3A_358 = arith.index_cast %swap3A_357 : i32 to index
        %swap3A_359 = arith.index_cast %add3A_206 : i32 to index
        %swap3A_360 = arith.constant 112 : index
        %swap3A_361 = tpu.vector_load %arg10[%swap3A_358, %swap3A_359, %swap3A_360] {strides = array<i32>} : memref<2x40x128xf32, #tpu.memory_space<vmem>>, vector<1x1x16xf32>,
        %swap3A_362 = vector.shape_cast %swap3A_361 : vector<1x1x16xf32> to vector<16xf32>
        %swap3A_363 = vector.shape_cast %sub3A_356 : vector<16xf32> to vector<1x1x16xf32>
        tpu.vector_store %arg10[%swap3A_358, %swap3A_359, %swap3A_360], %swap3A_363 {strides = array<i32>} : memref<2x40x128xf32, #tpu.memory_space<vmem>>, vector<1x1x16xf32>,
        %mul3A_364 = arith.constant 4 : i32
        %mul3A_365 = arith.muli %scan3A_202, %mul3A_364 : i32
        %add3A_366 = arith.constant 1 : i32
        %add3A_367 = arith.addi %mul3A_365, %add3A_366 : i32
        %get3A_368 = arith.constant 1 : i32
        %get3A_369 = arith.index_cast %get3A_368 : i32 to index
        %get3A_370 = arith.index_cast %add3A_367 : i32 to index
        %get3A_371 = arith.constant 0 : index
        %get3A_372 = tpu.vector_load %arg9[%get3A_369, %get3A_370, %get3A_371] {strides = array<i32>} : memref<2x40x128xf32, #tpu.memory_space<vmem>>, vector<1x1x16xf32>,
        %get3A_373 = vector.shape_cast %get3A_372 : vector<1x1x16xf32> to vector<16xf32>
        %get3A_374 = arith.constant 1 : i32
        %get3A_375 = arith.index_cast %get3A_374 : i32 to index
        %get3A_376 = arith.index_cast %add3A_367 : i32 to index
        %get3A_377 = arith.constant 0 : index
        %get3A_378 = tpu.vector_load %arg8[%get3A_375, %get3A_376, %get3A_377] {strides = array<i32>} : memref<2x40x128xf32, #tpu.memory_space<vmem>>, vector<1x1x16xf32>,
        %get3A_379 = vector.shape_cast %get3A_378 : vector<1x1x16xf32> to vector<16xf32>
        %sub3A_380 = arith.subf %get3A_373, %get3A_379 : vector<16xf32>
        %swap3A_381 = arith.constant 1 : i32
        %swap3A_382 = arith.index_cast %swap3A_381 : i32 to index
        %swap3A_383 = arith.index_cast %add3A_367 : i32 to index
        %swap3A_384 = arith.constant 0 : index
        %swap3A_385 = tpu.vector_load %arg10[%swap3A_382, %swap3A_383, %swap3A_384] {strides = array<i32>} : memref<2x40x128xf32, #tpu.memory_space<vmem>>, vector<1x1x16xf32>,
        %swap3A_386 = vector.shape_cast %swap3A_385 : vector<1x1x16xf32> to vector<16xf32>
        %swap3A_387 = vector.shape_cast %sub3A_380 : vector<16xf32> to vector<1x1x16xf32>
        tpu.vector_store %arg10[%swap3A_382, %swap3A_383, %swap3A_384], %swap3A_387 {strides = array<i32>} : memref<2x40x128xf32, #tpu.memory_space<vmem>>, vector<1x1x16xf32>,
        %get3A_388 = arith.constant 1 : i32
        %get3A_389 = arith.index_cast %get3A_388 : i32 to index
        %get3A_390 = arith.index_cast %add3A_367 : i32 to index
        %get3A_391 = arith.constant 16 : index
        %get3A_392 = tpu.vector_load %arg9[%get3A_389, %get3A_390, %get3A_391] {strides = array<i32>} : memref<2x40x128xf32, #tpu.memory_space<vmem>>, vector<1x1x16xf32>,
        %get3A_393 = vector.shape_cast %get3A_392 : vector<1x1x16xf32> to vector<16xf32>
        %get3A_394 = arith.constant 1 : i32
        %get3A_395 = arith.index_cast %get3A_394 : i32 to index
        %get3A_396 = arith.index_cast %add3A_367 : i32 to index
        %get3A_397 = arith.constant 16 : index
        %get3A_398 = tpu.vector_load %arg8[%get3A_395, %get3A_396, %get3A_397] {strides = array<i32>} : memref<2x40x128xf32, #tpu.memory_space<vmem>>, vector<1x1x16xf32>,
        %get3A_399 = vector.shape_cast %get3A_398 : vector<1x1x16xf32> to vector<16xf32>
        %sub3A_400 = arith.subf %get3A_393, %get3A_399 : vector<16xf32>
        %swap3A_401 = arith.constant 1 : i32
        %swap3A_402 = arith.index_cast %swap3A_401 : i32 to index
        %swap3A_403 = arith.index_cast %add3A_367 : i32 to index
        %swap3A_404 = arith.constant 16 : index
        %swap3A_405 = tpu.vector_load %arg10[%swap3A_402, %swap3A_403, %swap3A_404] {strides = array<i32>} : memref<2x40x128xf32, #tpu.memory_space<vmem>>, vector<1x1x16xf32>,
        %swap3A_406 = vector.shape_cast %swap3A_405 : vector<1x1x16xf32> to vector<16xf32>
        %swap3A_407 = vector.shape_cast %sub3A_400 : vector<16xf32> to vector<1x1x16xf32>
        tpu.vector_store %arg10[%swap3A_402, %swap3A_403, %swap3A_404], %swap3A_407 {strides = array<i32>} : memref<2x40x128xf32, #tpu.memory_space<vmem>>, vector<1x1x16xf32>,
        %get3A_408 = arith.constant 1 : i32
        %get3A_409 = arith.index_cast %get3A_408 : i32 to index
        %get3A_410 = arith.index_cast %add3A_367 : i32 to index
        %get3A_411 = arith.constant 32 : index
        %get3A_412 = tpu.vector_load %arg9[%get3A_409, %get3A_410, %get3A_411] {strides = array<i32>} : memref<2x40x128xf32, #tpu.memory_space<vmem>>, vector<1x1x16xf32>,
        %get3A_413 = vector.shape_cast %get3A_412 : vector<1x1x16xf32> to vector<16xf32>
        %get3A_414 = arith.constant 1 : i32
        %get3A_415 = arith.index_cast %get3A_414 : i32 to index
        %get3A_416 = arith.index_cast %add3A_367 : i32 to index
        %get3A_417 = arith.constant 32 : index
        %get3A_418 = tpu.vector_load %arg8[%get3A_415, %get3A_416, %get3A_417] {strides = array<i32>} : memref<2x40x128xf32, #tpu.memory_space<vmem>>, vector<1x1x16xf32>,
        %get3A_419 = vector.shape_cast %get3A_418 : vector<1x1x16xf32> to vector<16xf32>
        %sub3A_420 = arith.subf %get3A_413, %get3A_419 : vector<16xf32>
        %swap3A_421 = arith.constant 1 : i32
        %swap3A_422 = arith.index_cast %swap3A_421 : i32 to index
        %swap3A_423 = arith.index_cast %add3A_367 : i32 to index
        %swap3A_424 = arith.constant 32 : index
        %swap3A_425 = tpu.vector_load %arg10[%swap3A_422, %swap3A_423, %swap3A_424] {strides = array<i32>} : memref<2x40x128xf32, #tpu.memory_space<vmem>>, vector<1x1x16xf32>,
        %swap3A_426 = vector.shape_cast %swap3A_425 : vector<1x1x16xf32> to vector<16xf32>
        %swap3A_427 = vector.shape_cast %sub3A_420 : vector<16xf32> to vector<1x1x16xf32>
        tpu.vector_store %arg10[%swap3A_422, %swap3A_423, %swap3A_424], %swap3A_427 {strides = array<i32>} : memref<2x40x128xf32, #tpu.memory_space<vmem>>, vector<1x1x16xf32>,
        %get3A_428 = arith.constant 1 : i32
        %get3A_429 = arith.index_cast %get3A_428 : i32 to index
        %get3A_430 = arith.index_cast %add3A_367 : i32 to index
        %get3A_431 = arith.constant 48 : index
        %get3A_432 = tpu.vector_load %arg9[%get3A_429, %get3A_430, %get3A_431] {strides = array<i32>} : memref<2x40x128xf32, #tpu.memory_space<vmem>>, vector<1x1x16xf32>,
        %get3A_433 = vector.shape_cast %get3A_432 : vector<1x1x16xf32> to vector<16xf32>
        %get3A_434 = arith.constant 1 : i32
        %get3A_435 = arith.index_cast %get3A_434 : i32 to index
        %get3A_436 = arith.index_cast %add3A_367 : i32 to index
        %get3A_437 = arith.constant 48 : index
        %get3A_438 = tpu.vector_load %arg8[%get3A_435, %get3A_436, %get3A_437] {strides = array<i32>} : memref<2x40x128xf32, #tpu.memory_space<vmem>>, vector<1x1x16xf32>,
        %get3A_439 = vector.shape_cast %get3A_438 : vector<1x1x16xf32> to vector<16xf32>
        %sub3A_440 = arith.subf %get3A_433, %get3A_439 : vector<16xf32>
        %swap3A_441 = arith.constant 1 : i32
        %swap3A_442 = arith.index_cast %swap3A_441 : i32 to index
        %swap3A_443 = arith.index_cast %add3A_367 : i32 to index
        %swap3A_444 = arith.constant 48 : index
        %swap3A_445 = tpu.vector_load %arg10[%swap3A_442, %swap3A_443, %swap3A_444] {strides = array<i32>} : memref<2x40x128xf32, #tpu.memory_space<vmem>>, vector<1x1x16xf32>,
        %swap3A_446 = vector.shape_cast %swap3A_445 : vector<1x1x16xf32> to vector<16xf32>
        %swap3A_447 = vector.shape_cast %sub3A_440 : vector<16xf32> to vector<1x1x16xf32>
        tpu.vector_store %arg10[%swap3A_442, %swap3A_443, %swap3A_444], %swap3A_447 {strides = array<i32>} : memref<2x40x128xf32, #tpu.memory_space<vmem>>, vector<1x1x16xf32>,
        %get3A_448 = arith.constant 1 : i32
        %get3A_449 = arith.index_cast %get3A_448 : i32 to index
        %get3A_450 = arith.index_cast %add3A_367 : i32 to index
        %get3A_451 = arith.constant 64 : index
        %get3A_452 = tpu.vector_load %arg9[%get3A_449, %get3A_450, %get3A_451] {strides = array<i32>} : memref<2x40x128xf32, #tpu.memory_space<vmem>>, vector<1x1x16xf32>,
        %get3A_453 = vector.shape_cast %get3A_452 : vector<1x1x16xf32> to vector<16xf32>
        %get3A_454 = arith.constant 1 : i32
        %get3A_455 = arith.index_cast %get3A_454 : i32 to index
        %get3A_456 = arith.index_cast %add3A_367 : i32 to index
        %get3A_457 = arith.constant 64 : index
        %get3A_458 = tpu.vector_load %arg8[%get3A_455, %get3A_456, %get3A_457] {strides = array<i32>} : memref<2x40x128xf32, #tpu.memory_space<vmem>>, vector<1x1x16xf32>,
        %get3A_459 = vector.shape_cast %get3A_458 : vector<1x1x16xf32> to vector<16xf32>
        %sub3A_460 = arith.subf %get3A_453, %get3A_459 : vector<16xf32>
        %swap3A_461 = arith.constant 1 : i32
        %swap3A_462 = arith.index_cast %swap3A_461 : i32 to index
        %swap3A_463 = arith.index_cast %add3A_367 : i32 to index
        %swap3A_464 = arith.constant 64 : index
        %swap3A_465 = tpu.vector_load %arg10[%swap3A_462, %swap3A_463, %swap3A_464] {strides = array<i32>} : memref<2x40x128xf32, #tpu.memory_space<vmem>>, vector<1x1x16xf32>,
        %swap3A_466 = vector.shape_cast %swap3A_465 : vector<1x1x16xf32> to vector<16xf32>
        %swap3A_467 = vector.shape_cast %sub3A_460 : vector<16xf32> to vector<1x1x16xf32>
        tpu.vector_store %arg10[%swap3A_462, %swap3A_463, %swap3A_464], %swap3A_467 {strides = array<i32>} : memref<2x40x128xf32, #tpu.memory_space<vmem>>, vector<1x1x16xf32>,
        %get3A_468 = arith.constant 1 : i32
        %get3A_469 = arith.index_cast %get3A_468 : i32 to index
        %get3A_470 = arith.index_cast %add3A_367 : i32 to index
        %get3A_471 = arith.constant 80 : index
        %get3A_472 = tpu.vector_load %arg9[%get3A_469, %get3A_470, %get3A_471] {strides = array<i32>} : memref<2x40x128xf32, #tpu.memory_space<vmem>>, vector<1x1x16xf32>,
        %get3A_473 = vector.shape_cast %get3A_472 : vector<1x1x16xf32> to vector<16xf32>
        %get3A_474 = arith.constant 1 : i32
        %get3A_475 = arith.index_cast %get3A_474 : i32 to index
        %get3A_476 = arith.index_cast %add3A_367 : i32 to index
        %get3A_477 = arith.constant 80 : index
        %get3A_478 = tpu.vector_load %arg8[%get3A_475, %get3A_476, %get3A_477] {strides = array<i32>} : memref<2x40x128xf32, #tpu.memory_space<vmem>>, vector<1x1x16xf32>,
        %get3A_479 = vector.shape_cast %get3A_478 : vector<1x1x16xf32> to vector<16xf32>
        %sub3A_480 = arith.subf %get3A_473, %get3A_479 : vector<16xf32>
        %swap3A_481 = arith.constant 1 : i32
        %swap3A_482 = arith.index_cast %swap3A_481 : i32 to index
        %swap3A_483 = arith.index_cast %add3A_367 : i32 to index
        %swap3A_484 = arith.constant 80 : index
        %swap3A_485 = tpu.vector_load %arg10[%swap3A_482, %swap3A_483, %swap3A_484] {strides = array<i32>} : memref<2x40x128xf32, #tpu.memory_space<vmem>>, vector<1x1x16xf32>,
        %swap3A_486 = vector.shape_cast %swap3A_485 : vector<1x1x16xf32> to vector<16xf32>
        %swap3A_487 = vector.shape_cast %sub3A_480 : vector<16xf32> to vector<1x1x16xf32>
        tpu.vector_store %arg10[%swap3A_482, %swap3A_483, %swap3A_484], %swap3A_487 {strides = array<i32>} : memref<2x40x128xf32, #tpu.memory_space<vmem>>, vector<1x1x16xf32>,
        %get3A_488 = arith.constant 1 : i32
        %get3A_489 = arith.index_cast %get3A_488 : i32 to index
        %get3A_490 = arith.index_cast %add3A_367 : i32 to index
        %get3A_491 = arith.constant 96 : index
        %get3A_492 = tpu.vector_load %arg9[%get3A_489, %get3A_490, %get3A_491] {strides = array<i32>} : memref<2x40x128xf32, #tpu.memory_space<vmem>>, vector<1x1x16xf32>,
        %get3A_493 = vector.shape_cast %get3A_492 : vector<1x1x16xf32> to vector<16xf32>
        %get3A_494 = arith.constant 1 : i32
        %get3A_495 = arith.index_cast %get3A_494 : i32 to index
        %get3A_496 = arith.index_cast %add3A_367 : i32 to index
        %get3A_497 = arith.constant 96 : index
        %get3A_498 = tpu.vector_load %arg8[%get3A_495, %get3A_496, %get3A_497] {strides = array<i32>} : memref<2x40x128xf32, #tpu.memory_space<vmem>>, vector<1x1x16xf32>,
        %get3A_499 = vector.shape_cast %get3A_498 : vector<1x1x16xf32> to vector<16xf32>
        %sub3A_500 = arith.subf %get3A_493, %get3A_499 : vector<16xf32>
        %swap3A_501 = arith.constant 1 : i32
        %swap3A_502 = arith.index_cast %swap3A_501 : i32 to index
        %swap3A_503 = arith.index_cast %add3A_367 : i32 to index
        %swap3A_504 = arith.constant 96 : index
        %swap3A_505 = tpu.vector_load %arg10[%swap3A_502, %swap3A_503, %swap3A_504] {strides = array<i32>} : memref<2x40x128xf32, #tpu.memory_space<vmem>>, vector<1x1x16xf32>,
        %swap3A_506 = vector.shape_cast %swap3A_505 : vector<1x1x16xf32> to vector<16xf32>
        %swap3A_507 = vector.shape_cast %sub3A_500 : vector<16xf32> to vector<1x1x16xf32>
        tpu.vector_store %arg10[%swap3A_502, %swap3A_503, %swap3A_504], %swap3A_507 {strides = array<i32>} : memref<2x40x128xf32, #tpu.memory_space<vmem>>, vector<1x1x16xf32>,
        %get3A_508 = arith.constant 1 : i32
        %get3A_509 = arith.index_cast %get3A_508 : i32 to index
        %get3A_510 = arith.index_cast %add3A_367 : i32 to index
        %get3A_511 = arith.constant 112 : index
        %get3A_512 = tpu.vector_load %arg9[%get3A_509, %get3A_510, %get3A_511] {strides = array<i32>} : memref<2x40x128xf32, #tpu.memory_space<vmem>>, vector<1x1x16xf32>,
        %get3A_513 = vector.shape_cast %get3A_512 : vector<1x1x16xf32> to vector<16xf32>
        %get3A_514 = arith.constant 1 : i32
        %get3A_515 = arith.index_cast %get3A_514 : i32 to index
        %get3A_516 = arith.index_cast %add3A_367 : i32 to index
        %get3A_517 = arith.constant 112 : index
        %get3A_518 = tpu.vector_load %arg8[%get3A_515, %get3A_516, %get3A_517] {strides = array<i32>} : memref<2x40x128xf32, #tpu.memory_space<vmem>>, vector<1x1x16xf32>,
        %get3A_519 = vector.shape_cast %get3A_518 : vector<1x1x16xf32> to vector<16xf32>
        %sub3A_520 = arith.subf %get3A_513, %get3A_519 : vector<16xf32>
        %swap3A_521 = arith.constant 1 : i32
        %swap3A_522 = arith.index_cast %swap3A_521 : i32 to index
        %swap3A_523 = arith.index_cast %add3A_367 : i32 to index
        %swap3A_524 = arith.constant 112 : index
        %swap3A_525 = tpu.vector_load %arg10[%swap3A_522, %swap3A_523, %swap3A_524] {strides = array<i32>} : memref<2x40x128xf32, #tpu.memory_space<vmem>>, vector<1x1x16xf32>,
        %swap3A_526 = vector.shape_cast %swap3A_525 : vector<1x1x16xf32> to vector<16xf32>
        %swap3A_527 = vector.shape_cast %sub3A_520 : vector<16xf32> to vector<1x1x16xf32>
        tpu.vector_store %arg10[%swap3A_522, %swap3A_523, %swap3A_524], %swap3A_527 {strides = array<i32>} : memref<2x40x128xf32, #tpu.memory_space<vmem>>, vector<1x1x16xf32>,
        %mul3A_528 = arith.constant 4 : i32
        %mul3A_529 = arith.muli %scan3A_202, %mul3A_528 : i32
        %add3A_530 = arith.constant 2 : i32
        %add3A_531 = arith.addi %mul3A_529, %add3A_530 : i32
        %get3A_532 = arith.constant 1 : i32
        %get3A_533 = arith.index_cast %get3A_532 : i32 to index
        %get3A_534 = arith.index_cast %add3A_531 : i32 to index
        %get3A_535 = arith.constant 0 : index
        %get3A_536 = tpu.vector_load %arg9[%get3A_533, %get3A_534, %get3A_535] {strides = array<i32>} : memref<2x40x128xf32, #tpu.memory_space<vmem>>, vector<1x1x16xf32>,
        %get3A_537 = vector.shape_cast %get3A_536 : vector<1x1x16xf32> to vector<16xf32>
        %get3A_538 = arith.constant 1 : i32
        %get3A_539 = arith.index_cast %get3A_538 : i32 to index
        %get3A_540 = arith.index_cast %add3A_531 : i32 to index
        %get3A_541 = arith.constant 0 : index
        %get3A_542 = tpu.vector_load %arg8[%get3A_539, %get3A_540, %get3A_541] {strides = array<i32>} : memref<2x40x128xf32, #tpu.memory_space<vmem>>, vector<1x1x16xf32>,
        %get3A_543 = vector.shape_cast %get3A_542 : vector<1x1x16xf32> to vector<16xf32>
        %sub3A_544 = arith.subf %get3A_537, %get3A_543 : vector<16xf32>
        %swap3A_545 = arith.constant 1 : i32
        %swap3A_546 = arith.index_cast %swap3A_545 : i32 to index
        %swap3A_547 = arith.index_cast %add3A_531 : i32 to index
        %swap3A_548 = arith.constant 0 : index
        %swap3A_549 = tpu.vector_load %arg10[%swap3A_546, %swap3A_547, %swap3A_548] {strides = array<i32>} : memref<2x40x128xf32, #tpu.memory_space<vmem>>, vector<1x1x16xf32>,
        %swap3A_550 = vector.shape_cast %swap3A_549 : vector<1x1x16xf32> to vector<16xf32>
        %swap3A_551 = vector.shape_cast %sub3A_544 : vector<16xf32> to vector<1x1x16xf32>
        tpu.vector_store %arg10[%swap3A_546, %swap3A_547, %swap3A_548], %swap3A_551 {strides = array<i32>} : memref<2x40x128xf32, #tpu.memory_space<vmem>>, vector<1x1x16xf32>,
        %get3A_552 = arith.constant 1 : i32
        %get3A_553 = arith.index_cast %get3A_552 : i32 to index
        %get3A_554 = arith.index_cast %add3A_531 : i32 to index
        %get3A_555 = arith.constant 16 : index
        %get3A_556 = tpu.vector_load %arg9[%get3A_553, %get3A_554, %get3A_555] {strides = array<i32>} : memref<2x40x128xf32, #tpu.memory_space<vmem>>, vector<1x1x16xf32>,
        %get3A_557 = vector.shape_cast %get3A_556 : vector<1x1x16xf32> to vector<16xf32>
        %get3A_558 = arith.constant 1 : i32
        %get3A_559 = arith.index_cast %get3A_558 : i32 to index
        %get3A_560 = arith.index_cast %add3A_531 : i32 to index
        %get3A_561 = arith.constant 16 : index
        %get3A_562 = tpu.vector_load %arg8[%get3A_559, %get3A_560, %get3A_561] {strides = array<i32>} : memref<2x40x128xf32, #tpu.memory_space<vmem>>, vector<1x1x16xf32>,
        %get3A_563 = vector.shape_cast %get3A_562 : vector<1x1x16xf32> to vector<16xf32>
        %sub3A_564 = arith.subf %get3A_557, %get3A_563 : vector<16xf32>
        %swap3A_565 = arith.constant 1 : i32
        %swap3A_566 = arith.index_cast %swap3A_565 : i32 to index
        %swap3A_567 = arith.index_cast %add3A_531 : i32 to index
        %swap3A_568 = arith.constant 16 : index
        %swap3A_569 = tpu.vector_load %arg10[%swap3A_566, %swap3A_567, %swap3A_568] {strides = array<i32>} : memref<2x40x128xf32, #tpu.memory_space<vmem>>, vector<1x1x16xf32>,
        %swap3A_570 = vector.shape_cast %swap3A_569 : vector<1x1x16xf32> to vector<16xf32>
        %swap3A_571 = vector.shape_cast %sub3A_564 : vector<16xf32> to vector<1x1x16xf32>
        tpu.vector_store %arg10[%swap3A_566, %swap3A_567, %swap3A_568], %swap3A_571 {strides = array<i32>} : memref<2x40x128xf32, #tpu.memory_space<vmem>>, vector<1x1x16xf32>,
        %get3A_572 = arith.constant 1 : i32
        %get3A_573 = arith.index_cast %get3A_572 : i32 to index
        %get3A_574 = arith.index_cast %add3A_531 : i32 to index
        %get3A_575 = arith.constant 32 : index
        %get3A_576 = tpu.vector_load %arg9[%get3A_573, %get3A_574, %get3A_575] {strides = array<i32>} : memref<2x40x128xf32, #tpu.memory_space<vmem>>, vector<1x1x16xf32>,
        %get3A_577 = vector.shape_cast %get3A_576 : vector<1x1x16xf32> to vector<16xf32>
        %get3A_578 = arith.constant 1 : i32
        %get3A_579 = arith.index_cast %get3A_578 : i32 to index
        %get3A_580 = arith.index_cast %add3A_531 : i32 to index
        %get3A_581 = arith.constant 32 : index
        %get3A_582 = tpu.vector_load %arg8[%get3A_579, %get3A_580, %get3A_581] {strides = array<i32>} : memref<2x40x128xf32, #tpu.memory_space<vmem>>, vector<1x1x16xf32>,
        %get3A_583 = vector.shape_cast %get3A_582 : vector<1x1x16xf32> to vector<16xf32>
        %sub3A_584 = arith.subf %get3A_577, %get3A_583 : vector<16xf32>
        %swap3A_585 = arith.constant 1 : i32
        %swap3A_586 = arith.index_cast %swap3A_585 : i32 to index
        %swap3A_587 = arith.index_cast %add3A_531 : i32 to index
        %swap3A_588 = arith.constant 32 : index
        %swap3A_589 = tpu.vector_load %arg10[%swap3A_586, %swap3A_587, %swap3A_588] {strides = array<i32>} : memref<2x40x128xf32, #tpu.memory_space<vmem>>, vector<1x1x16xf32>,
        %swap3A_590 = vector.shape_cast %swap3A_589 : vector<1x1x16xf32> to vector<16xf32>
        %swap3A_591 = vector.shape_cast %sub3A_584 : vector<16xf32> to vector<1x1x16xf32>
        tpu.vector_store %arg10[%swap3A_586, %swap3A_587, %swap3A_588], %swap3A_591 {strides = array<i32>} : memref<2x40x128xf32, #tpu.memory_space<vmem>>, vector<1x1x16xf32>,
        %get3A_592 = arith.constant 1 : i32
        %get3A_593 = arith.index_cast %get3A_592 : i32 to index
        %get3A_594 = arith.index_cast %add3A_531 : i32 to index
        %get3A_595 = arith.constant 48 : index
        %get3A_596 = tpu.vector_load %arg9[%get3A_593, %get3A_594, %get3A_595] {strides = array<i32>} : memref<2x40x128xf32, #tpu.memory_space<vmem>>, vector<1x1x16xf32>,
        %get3A_597 = vector.shape_cast %get3A_596 : vector<1x1x16xf32> to vector<16xf32>
        %get3A_598 = arith.constant 1 : i32
        %get3A_599 = arith.index_cast %get3A_598 : i32 to index
        %get3A_600 = arith.index_cast %add3A_531 : i32 to index
        %get3A_601 = arith.constant 48 : index
        %get3A_602 = tpu.vector_load %arg8[%get3A_599, %get3A_600, %get3A_601] {strides = array<i32>} : memref<2x40x128xf32, #tpu.memory_space<vmem>>, vector<1x1x16xf32>,
        %get3A_603 = vector.shape_cast %get3A_602 : vector<1x1x16xf32> to vector<16xf32>
        %sub3A_604 = arith.subf %get3A_597, %get3A_603 : vector<16xf32>
        %swap3A_605 = arith.constant 1 : i32
        %swap3A_606 = arith.index_cast %swap3A_605 : i32 to index
        %swap3A_607 = arith.index_cast %add3A_531 : i32 to index
        %swap3A_608 = arith.constant 48 : index
        %swap3A_609 = tpu.vector_load %arg10[%swap3A_606, %swap3A_607, %swap3A_608] {strides = array<i32>} : memref<2x40x128xf32, #tpu.memory_space<vmem>>, vector<1x1x16xf32>,
        %swap3A_610 = vector.shape_cast %swap3A_609 : vector<1x1x16xf32> to vector<16xf32>
        %swap3A_611 = vector.shape_cast %sub3A_604 : vector<16xf32> to vector<1x1x16xf32>
        tpu.vector_store %arg10[%swap3A_606, %swap3A_607, %swap3A_608], %swap3A_611 {strides = array<i32>} : memref<2x40x128xf32, #tpu.memory_space<vmem>>, vector<1x1x16xf32>,
        %get3A_612 = arith.constant 1 : i32
        %get3A_613 = arith.index_cast %get3A_612 : i32 to index
        %get3A_614 = arith.index_cast %add3A_531 : i32 to index
        %get3A_615 = arith.constant 64 : index
        %get3A_616 = tpu.vector_load %arg9[%get3A_613, %get3A_614, %get3A_615] {strides = array<i32>} : memref<2x40x128xf32, #tpu.memory_space<vmem>>, vector<1x1x16xf32>,
        %get3A_617 = vector.shape_cast %get3A_616 : vector<1x1x16xf32> to vector<16xf32>
        %get3A_618 = arith.constant 1 : i32
        %get3A_619 = arith.index_cast %get3A_618 : i32 to index
        %get3A_620 = arith.index_cast %add3A_531 : i32 to index
        %get3A_621 = arith.constant 64 : index
        %get3A_622 = tpu.vector_load %arg8[%get3A_619, %get3A_620, %get3A_621] {strides = array<i32>} : memref<2x40x128xf32, #tpu.memory_space<vmem>>, vector<1x1x16xf32>,
        %get3A_623 = vector.shape_cast %get3A_622 : vector<1x1x16xf32> to vector<16xf32>
        %sub3A_624 = arith.subf %get3A_617, %get3A_623 : vector<16xf32>
        %swap3A_625 = arith.constant 1 : i32
        %swap3A_626 = arith.index_cast %swap3A_625 : i32 to index
        %swap3A_627 = arith.index_cast %add3A_531 : i32 to index
        %swap3A_628 = arith.constant 64 : index
        %swap3A_629 = tpu.vector_load %arg10[%swap3A_626, %swap3A_627, %swap3A_628] {strides = array<i32>} : memref<2x40x128xf32, #tpu.memory_space<vmem>>, vector<1x1x16xf32>,
        %swap3A_630 = vector.shape_cast %swap3A_629 : vector<1x1x16xf32> to vector<16xf32>
        %swap3A_631 = vector.shape_cast %sub3A_624 : vector<16xf32> to vector<1x1x16xf32>
        tpu.vector_store %arg10[%swap3A_626, %swap3A_627, %swap3A_628], %swap3A_631 {strides = array<i32>} : memref<2x40x128xf32, #tpu.memory_space<vmem>>, vector<1x1x16xf32>,
        %get3A_632 = arith.constant 1 : i32
        %get3A_633 = arith.index_cast %get3A_632 : i32 to index
        %get3A_634 = arith.index_cast %add3A_531 : i32 to index
        %get3A_635 = arith.constant 80 : index
        %get3A_636 = tpu.vector_load %arg9[%get3A_633, %get3A_634, %get3A_635] {strides = array<i32>} : memref<2x40x128xf32, #tpu.memory_space<vmem>>, vector<1x1x16xf32>,
        %get3A_637 = vector.shape_cast %get3A_636 : vector<1x1x16xf32> to vector<16xf32>
        %get3A_638 = arith.constant 1 : i32
        %get3A_639 = arith.index_cast %get3A_638 : i32 to index
        %get3A_640 = arith.index_cast %add3A_531 : i32 to index
        %get3A_641 = arith.constant 80 : index
        %get3A_642 = tpu.vector_load %arg8[%get3A_639, %get3A_640, %get3A_641] {strides = array<i32>} : memref<2x40x128xf32, #tpu.memory_space<vmem>>, vector<1x1x16xf32>,
        %get3A_643 = vector.shape_cast %get3A_642 : vector<1x1x16xf32> to vector<16xf32>
        %sub3A_644 = arith.subf %get3A_637, %get3A_643 : vector<16xf32>
        %swap3A_645 = arith.constant 1 : i32
        %swap3A_646 = arith.index_cast %swap3A_645 : i32 to index
        %swap3A_647 = arith.index_cast %add3A_531 : i32 to index
        %swap3A_648 = arith.constant 80 : index
        %swap3A_649 = tpu.vector_load %arg10[%swap3A_646, %swap3A_647, %swap3A_648] {strides = array<i32>} : memref<2x40x128xf32, #tpu.memory_space<vmem>>, vector<1x1x16xf32>,
        %swap3A_650 = vector.shape_cast %swap3A_649 : vector<1x1x16xf32> to vector<16xf32>
        %swap3A_651 = vector.shape_cast %sub3A_644 : vector<16xf32> to vector<1x1x16xf32>
        tpu.vector_store %arg10[%swap3A_646, %swap3A_647, %swap3A_648], %swap3A_651 {strides = array<i32>} : memref<2x40x128xf32, #tpu.memory_space<vmem>>, vector<1x1x16xf32>,
        %get3A_652 = arith.constant 1 : i32
        %get3A_653 = arith.index_cast %get3A_652 : i32 to index
        %get3A_654 = arith.index_cast %add3A_531 : i32 to index
        %get3A_655 = arith.constant 96 : index
        %get3A_656 = tpu.vector_load %arg9[%get3A_653, %get3A_654, %get3A_655] {strides = array<i32>} : memref<2x40x128xf32, #tpu.memory_space<vmem>>, vector<1x1x16xf32>,
        %get3A_657 = vector.shape_cast %get3A_656 : vector<1x1x16xf32> to vector<16xf32>
        %get3A_658 = arith.constant 1 : i32
        %get3A_659 = arith.index_cast %get3A_658 : i32 to index
        %get3A_660 = arith.index_cast %add3A_531 : i32 to index
        %get3A_661 = arith.constant 96 : index
        %get3A_662 = tpu.vector_load %arg8[%get3A_659, %get3A_660, %get3A_661] {strides = array<i32>} : memref<2x40x128xf32, #tpu.memory_space<vmem>>, vector<1x1x16xf32>,
        %get3A_663 = vector.shape_cast %get3A_662 : vector<1x1x16xf32> to vector<16xf32>
        %sub3A_664 = arith.subf %get3A_657, %get3A_663 : vector<16xf32>
        %swap3A_665 = arith.constant 1 : i32
        %swap3A_666 = arith.index_cast %swap3A_665 : i32 to index
        %swap3A_667 = arith.index_cast %add3A_531 : i32 to index
        %swap3A_668 = arith.constant 96 : index
        %swap3A_669 = tpu.vector_load %arg10[%swap3A_666, %swap3A_667, %swap3A_668] {strides = array<i32>} : memref<2x40x128xf32, #tpu.memory_space<vmem>>, vector<1x1x16xf32>,
        %swap3A_670 = vector.shape_cast %swap3A_669 : vector<1x1x16xf32> to vector<16xf32>
        %swap3A_671 = vector.shape_cast %sub3A_664 : vector<16xf32> to vector<1x1x16xf32>
        tpu.vector_store %arg10[%swap3A_666, %swap3A_667, %swap3A_668], %swap3A_671 {strides = array<i32>} : memref<2x40x128xf32, #tpu.memory_space<vmem>>, vector<1x1x16xf32>,
        %get3A_672 = arith.constant 1 : i32
        %get3A_673 = arith.index_cast %get3A_672 : i32 to index
        %get3A_674 = arith.index_cast %add3A_531 : i32 to index
        %get3A_675 = arith.constant 112 : index
        %get3A_676 = tpu.vector_load %arg9[%get3A_673, %get3A_674, %get3A_675] {strides = array<i32>} : memref<2x40x128xf32, #tpu.memory_space<vmem>>, vector<1x1x16xf32>,
        %get3A_677 = vector.shape_cast %get3A_676 : vector<1x1x16xf32> to vector<16xf32>
        %get3A_678 = arith.constant 1 : i32
        %get3A_679 = arith.index_cast %get3A_678 : i32 to index
        %get3A_680 = arith.index_cast %add3A_531 : i32 to index
        %get3A_681 = arith.constant 112 : index
        %get3A_682 = tpu.vector_load %arg8[%get3A_679, %get3A_680, %get3A_681] {strides = array<i32>} : memref<2x40x128xf32, #tpu.memory_space<vmem>>, vector<1x1x16xf32>,
        %get3A_683 = vector.shape_cast %get3A_682 : vector<1x1x16xf32> to vector<16xf32>
        %sub3A_684 = arith.subf %get3A_677, %get3A_683 : vector<16xf32>
        %swap3A_685 = arith.constant 1 : i32
        %swap3A_686 = arith.index_cast %swap3A_685 : i32 to index
        %swap3A_687 = arith.index_cast %add3A_531 : i32 to index
        %swap3A_688 = arith.constant 112 : index
        %swap3A_689 = tpu.vector_load %arg10[%swap3A_686, %swap3A_687, %swap3A_688] {strides = array<i32>} : memref<2x40x128xf32, #tpu.memory_space<vmem>>, vector<1x1x16xf32>,
        %swap3A_690 = vector.shape_cast %swap3A_689 : vector<1x1x16xf32> to vector<16xf32>
        %swap3A_691 = vector.shape_cast %sub3A_684 : vector<16xf32> to vector<1x1x16xf32>
        tpu.vector_store %arg10[%swap3A_686, %swap3A_687, %swap3A_688], %swap3A_691 {strides = array<i32>} : memref<2x40x128xf32, #tpu.memory_space<vmem>>, vector<1x1x16xf32>,
        %mul3A_692 = arith.constant 4 : i32
        %mul3A_693 = arith.muli %scan3A_202, %mul3A_692 : i32
        %add3A_694 = arith.constant 3 : i32
        %add3A_695 = arith.addi %mul3A_693, %add3A_694 : i32
        %get3A_696 = arith.constant 1 : i32
        %get3A_697 = arith.index_cast %get3A_696 : i32 to index
        %get3A_698 = arith.index_cast %add3A_695 : i32 to index
        %get3A_699 = arith.constant 0 : index
        %get3A_700 = tpu.vector_load %arg9[%get3A_697, %get3A_698, %get3A_699] {strides = array<i32>} : memref<2x40x128xf32, #tpu.memory_space<vmem>>, vector<1x1x16xf32>,
        %get3A_701 = vector.shape_cast %get3A_700 : vector<1x1x16xf32> to vector<16xf32>
        %get3A_702 = arith.constant 1 : i32
        %get3A_703 = arith.index_cast %get3A_702 : i32 to index
        %get3A_704 = arith.index_cast %add3A_695 : i32 to index
        %get3A_705 = arith.constant 0 : index
        %get3A_706 = tpu.vector_load %arg8[%get3A_703, %get3A_704, %get3A_705] {strides = array<i32>} : memref<2x40x128xf32, #tpu.memory_space<vmem>>, vector<1x1x16xf32>,
        %get3A_707 = vector.shape_cast %get3A_706 : vector<1x1x16xf32> to vector<16xf32>
        %sub3A_708 = arith.subf %get3A_701, %get3A_707 : vector<16xf32>
        %swap3A_709 = arith.constant 1 : i32
        %swap3A_710 = arith.index_cast %swap3A_709 : i32 to index
        %swap3A_711 = arith.index_cast %add3A_695 : i32 to index
        %swap3A_712 = arith.constant 0 : index
        %swap3A_713 = tpu.vector_load %arg10[%swap3A_710, %swap3A_711, %swap3A_712] {strides = array<i32>} : memref<2x40x128xf32, #tpu.memory_space<vmem>>, vector<1x1x16xf32>,
        %swap3A_714 = vector.shape_cast %swap3A_713 : vector<1x1x16xf32> to vector<16xf32>
        %swap3A_715 = vector.shape_cast %sub3A_708 : vector<16xf32> to vector<1x1x16xf32>
        tpu.vector_store %arg10[%swap3A_710, %swap3A_711, %swap3A_712], %swap3A_715 {strides = array<i32>} : memref<2x40x128xf32, #tpu.memory_space<vmem>>, vector<1x1x16xf32>,
        %get3A_716 = arith.constant 1 : i32
        %get3A_717 = arith.index_cast %get3A_716 : i32 to index
        %get3A_718 = arith.index_cast %add3A_695 : i32 to index
        %get3A_719 = arith.constant 16 : index
        %get3A_720 = tpu.vector_load %arg9[%get3A_717, %get3A_718, %get3A_719] {strides = array<i32>} : memref<2x40x128xf32, #tpu.memory_space<vmem>>, vector<1x1x16xf32>,
        %get3A_721 = vector.shape_cast %get3A_720 : vector<1x1x16xf32> to vector<16xf32>
        %get3A_722 = arith.constant 1 : i32
        %get3A_723 = arith.index_cast %get3A_722 : i32 to index
        %get3A_724 = arith.index_cast %add3A_695 : i32 to index
        %get3A_725 = arith.constant 16 : index
        %get3A_726 = tpu.vector_load %arg8[%get3A_723, %get3A_724, %get3A_725] {strides = array<i32>} : memref<2x40x128xf32, #tpu.memory_space<vmem>>, vector<1x1x16xf32>,
        %get3A_727 = vector.shape_cast %get3A_726 : vector<1x1x16xf32> to vector<16xf32>
        %sub3A_728 = arith.subf %get3A_721, %get3A_727 : vector<16xf32>
        %swap3A_729 = arith.constant 1 : i32
        %swap3A_730 = arith.index_cast %swap3A_729 : i32 to index
        %swap3A_731 = arith.index_cast %add3A_695 : i32 to index
        %swap3A_732 = arith.constant 16 : index
        %swap3A_733 = tpu.vector_load %arg10[%swap3A_730, %swap3A_731, %swap3A_732] {strides = array<i32>} : memref<2x40x128xf32, #tpu.memory_space<vmem>>, vector<1x1x16xf32>,
        %swap3A_734 = vector.shape_cast %swap3A_733 : vector<1x1x16xf32> to vector<16xf32>
        %swap3A_735 = vector.shape_cast %sub3A_728 : vector<16xf32> to vector<1x1x16xf32>
        tpu.vector_store %arg10[%swap3A_730, %swap3A_731, %swap3A_732], %swap3A_735 {strides = array<i32>} : memref<2x40x128xf32, #tpu.memory_space<vmem>>, vector<1x1x16xf32>,
        %get3A_736 = arith.constant 1 : i32
        %get3A_737 = arith.index_cast %get3A_736 : i32 to index
        %get3A_738 = arith.index_cast %add3A_695 : i32 to index
        %get3A_739 = arith.constant 32 : index
        %get3A_740 = tpu.vector_load %arg9[%get3A_737, %get3A_738, %get3A_739] {strides = array<i32>} : memref<2x40x128xf32, #tpu.memory_space<vmem>>, vector<1x1x16xf32>,
        %get3A_741 = vector.shape_cast %get3A_740 : vector<1x1x16xf32> to vector<16xf32>
        %get3A_742 = arith.constant 1 : i32
        %get3A_743 = arith.index_cast %get3A_742 : i32 to index
        %get3A_744 = arith.index_cast %add3A_695 : i32 to index
        %get3A_745 = arith.constant 32 : index
        %get3A_746 = tpu.vector_load %arg8[%get3A_743, %get3A_744, %get3A_745] {strides = array<i32>} : memref<2x40x128xf32, #tpu.memory_space<vmem>>, vector<1x1x16xf32>,
        %get3A_747 = vector.shape_cast %get3A_746 : vector<1x1x16xf32> to vector<16xf32>
        %sub3A_748 = arith.subf %get3A_741, %get3A_747 : vector<16xf32>
        %swap3A_749 = arith.constant 1 : i32
        %swap3A_750 = arith.index_cast %swap3A_749 : i32 to index
        %swap3A_751 = arith.index_cast %add3A_695 : i32 to index
        %swap3A_752 = arith.constant 32 : index
        %swap3A_753 = tpu.vector_load %arg10[%swap3A_750, %swap3A_751, %swap3A_752] {strides = array<i32>} : memref<2x40x128xf32, #tpu.memory_space<vmem>>, vector<1x1x16xf32>,
        %swap3A_754 = vector.shape_cast %swap3A_753 : vector<1x1x16xf32> to vector<16xf32>
        %swap3A_755 = vector.shape_cast %sub3A_748 : vector<16xf32> to vector<1x1x16xf32>
        tpu.vector_store %arg10[%swap3A_750, %swap3A_751, %swap3A_752], %swap3A_755 {strides = array<i32>} : memref<2x40x128xf32, #tpu.memory_space<vmem>>, vector<1x1x16xf32>,
        %get3A_756 = arith.constant 1 : i32
        %get3A_757 = arith.index_cast %get3A_756 : i32 to index
        %get3A_758 = arith.index_cast %add3A_695 : i32 to index
        %get3A_759 = arith.constant 48 : index
        %get3A_760 = tpu.vector_load %arg9[%get3A_757, %get3A_758, %get3A_759] {strides = array<i32>} : memref<2x40x128xf32, #tpu.memory_space<vmem>>, vector<1x1x16xf32>,
        %get3A_761 = vector.shape_cast %get3A_760 : vector<1x1x16xf32> to vector<16xf32>
        %get3A_762 = arith.constant 1 : i32
        %get3A_763 = arith.index_cast %get3A_762 : i32 to index
        %get3A_764 = arith.index_cast %add3A_695 : i32 to index
        %get3A_765 = arith.constant 48 : index
        %get3A_766 = tpu.vector_load %arg8[%get3A_763, %get3A_764, %get3A_765] {strides = array<i32>} : memref<2x40x128xf32, #tpu.memory_space<vmem>>, vector<1x1x16xf32>,
        %get3A_767 = vector.shape_cast %get3A_766 : vector<1x1x16xf32> to vector<16xf32>
        %sub3A_768 = arith.subf %get3A_761, %get3A_767 : vector<16xf32>
        %swap3A_769 = arith.constant 1 : i32
        %swap3A_770 = arith.index_cast %swap3A_769 : i32 to index
        %swap3A_771 = arith.index_cast %add3A_695 : i32 to index
        %swap3A_772 = arith.constant 48 : index
        %swap3A_773 = tpu.vector_load %arg10[%swap3A_770, %swap3A_771, %swap3A_772] {strides = array<i32>} : memref<2x40x128xf32, #tpu.memory_space<vmem>>, vector<1x1x16xf32>,
        %swap3A_774 = vector.shape_cast %swap3A_773 : vector<1x1x16xf32> to vector<16xf32>
        %swap3A_775 = vector.shape_cast %sub3A_768 : vector<16xf32> to vector<1x1x16xf32>
        tpu.vector_store %arg10[%swap3A_770, %swap3A_771, %swap3A_772], %swap3A_775 {strides = array<i32>} : memref<2x40x128xf32, #tpu.memory_space<vmem>>, vector<1x1x16xf32>,
        %get3A_776 = arith.constant 1 : i32
        %get3A_777 = arith.index_cast %get3A_776 : i32 to index
        %get3A_778 = arith.index_cast %add3A_695 : i32 to index
        %get3A_779 = arith.constant 64 : index
        %get3A_780 = tpu.vector_load %arg9[%get3A_777, %get3A_778, %get3A_779] {strides = array<i32>} : memref<2x40x128xf32, #tpu.memory_space<vmem>>, vector<1x1x16xf32>,
        %get3A_781 = vector.shape_cast %get3A_780 : vector<1x1x16xf32> to vector<16xf32>
        %get3A_782 = arith.constant 1 : i32
        %get3A_783 = arith.index_cast %get3A_782 : i32 to index
        %get3A_784 = arith.index_cast %add3A_695 : i32 to index
        %get3A_785 = arith.constant 64 : index
        %get3A_786 = tpu.vector_load %arg8[%get3A_783, %get3A_784, %get3A_785] {strides = array<i32>} : memref<2x40x128xf32, #tpu.memory_space<vmem>>, vector<1x1x16xf32>,
        %get3A_787 = vector.shape_cast %get3A_786 : vector<1x1x16xf32> to vector<16xf32>
        %sub3A_788 = arith.subf %get3A_781, %get3A_787 : vector<16xf32>
        %swap3A_789 = arith.constant 1 : i32
        %swap3A_790 = arith.index_cast %swap3A_789 : i32 to index
        %swap3A_791 = arith.index_cast %add3A_695 : i32 to index
        %swap3A_792 = arith.constant 64 : index
        %swap3A_793 = tpu.vector_load %arg10[%swap3A_790, %swap3A_791, %swap3A_792] {strides = array<i32>} : memref<2x40x128xf32, #tpu.memory_space<vmem>>, vector<1x1x16xf32>,
        %swap3A_794 = vector.shape_cast %swap3A_793 : vector<1x1x16xf32> to vector<16xf32>
        %swap3A_795 = vector.shape_cast %sub3A_788 : vector<16xf32> to vector<1x1x16xf32>
        tpu.vector_store %arg10[%swap3A_790, %swap3A_791, %swap3A_792], %swap3A_795 {strides = array<i32>} : memref<2x40x128xf32, #tpu.memory_space<vmem>>, vector<1x1x16xf32>,
        %get3A_796 = arith.constant 1 : i32
        %get3A_797 = arith.index_cast %get3A_796 : i32 to index
        %get3A_798 = arith.index_cast %add3A_695 : i32 to index
        %get3A_799 = arith.constant 80 : index
        %get3A_800 = tpu.vector_load %arg9[%get3A_797, %get3A_798, %get3A_799] {strides = array<i32>} : memref<2x40x128xf32, #tpu.memory_space<vmem>>, vector<1x1x16xf32>,
        %get3A_801 = vector.shape_cast %get3A_800 : vector<1x1x16xf32> to vector<16xf32>
        %get3A_802 = arith.constant 1 : i32
        %get3A_803 = arith.index_cast %get3A_802 : i32 to index
        %get3A_804 = arith.index_cast %add3A_695 : i32 to index
        %get3A_805 = arith.constant 80 : index
        %get3A_806 = tpu.vector_load %arg8[%get3A_803, %get3A_804, %get3A_805] {strides = array<i32>} : memref<2x40x128xf32, #tpu.memory_space<vmem>>, vector<1x1x16xf32>,
        %get3A_807 = vector.shape_cast %get3A_806 : vector<1x1x16xf32> to vector<16xf32>
        %sub3A_808 = arith.subf %get3A_801, %get3A_807 : vector<16xf32>
        %swap3A_809 = arith.constant 1 : i32
        %swap3A_810 = arith.index_cast %swap3A_809 : i32 to index
        %swap3A_811 = arith.index_cast %add3A_695 : i32 to index
        %swap3A_812 = arith.constant 80 : index
        %swap3A_813 = tpu.vector_load %arg10[%swap3A_810, %swap3A_811, %swap3A_812] {strides = array<i32>} : memref<2x40x128xf32, #tpu.memory_space<vmem>>, vector<1x1x16xf32>,
        %swap3A_814 = vector.shape_cast %swap3A_813 : vector<1x1x16xf32> to vector<16xf32>
        %swap3A_815 = vector.shape_cast %sub3A_808 : vector<16xf32> to vector<1x1x16xf32>
        tpu.vector_store %arg10[%swap3A_810, %swap3A_811, %swap3A_812], %swap3A_815 {strides = array<i32>} : memref<2x40x128xf32, #tpu.memory_space<vmem>>, vector<1x1x16xf32>,
        %get3A_816 = arith.constant 1 : i32
        %get3A_817 = arith.index_cast %get3A_816 : i32 to index
        %get3A_818 = arith.index_cast %add3A_695 : i32 to index
        %get3A_819 = arith.constant 96 : index
        %get3A_820 = tpu.vector_load %arg9[%get3A_817, %get3A_818, %get3A_819] {strides = array<i32>} : memref<2x40x128xf32, #tpu.memory_space<vmem>>, vector<1x1x16xf32>,
        %get3A_821 = vector.shape_cast %get3A_820 : vector<1x1x16xf32> to vector<16xf32>
        %get3A_822 = arith.constant 1 : i32
        %get3A_823 = arith.index_cast %get3A_822 : i32 to index
        %get3A_824 = arith.index_cast %add3A_695 : i32 to index
        %get3A_825 = arith.constant 96 : index
        %get3A_826 = tpu.vector_load %arg8[%get3A_823, %get3A_824, %get3A_825] {strides = array<i32>} : memref<2x40x128xf32, #tpu.memory_space<vmem>>, vector<1x1x16xf32>,
        %get3A_827 = vector.shape_cast %get3A_826 : vector<1x1x16xf32> to vector<16xf32>
        %sub3A_828 = arith.subf %get3A_821, %get3A_827 : vector<16xf32>
        %swap3A_829 = arith.constant 1 : i32
        %swap3A_830 = arith.index_cast %swap3A_829 : i32 to index
        %swap3A_831 = arith.index_cast %add3A_695 : i32 to index
        %swap3A_832 = arith.constant 96 : index
        %swap3A_833 = tpu.vector_load %arg10[%swap3A_830, %swap3A_831, %swap3A_832] {strides = array<i32>} : memref<2x40x128xf32, #tpu.memory_space<vmem>>, vector<1x1x16xf32>,
        %swap3A_834 = vector.shape_cast %swap3A_833 : vector<1x1x16xf32> to vector<16xf32>
        %swap3A_835 = vector.shape_cast %sub3A_828 : vector<16xf32> to vector<1x1x16xf32>
        tpu.vector_store %arg10[%swap3A_830, %swap3A_831, %swap3A_832], %swap3A_835 {strides = array<i32>} : memref<2x40x128xf32, #tpu.memory_space<vmem>>, vector<1x1x16xf32>,
        %get3A_836 = arith.constant 1 : i32
        %get3A_837 = arith.index_cast %get3A_836 : i32 to index
        %get3A_838 = arith.index_cast %add3A_695 : i32 to index
        %get3A_839 = arith.constant 112 : index
        %get3A_840 = tpu.vector_load %arg9[%get3A_837, %get3A_838, %get3A_839] {strides = array<i32>} : memref<2x40x128xf32, #tpu.memory_space<vmem>>, vector<1x1x16xf32>,
        %get3A_841 = vector.shape_cast %get3A_840 : vector<1x1x16xf32> to vector<16xf32>
        %get3A_842 = arith.constant 1 : i32
        %get3A_843 = arith.index_cast %get3A_842 : i32 to index
        %get3A_844 = arith.index_cast %add3A_695 : i32 to index
        %get3A_845 = arith.constant 112 : index
        %get3A_846 = tpu.vector_load %arg8[%get3A_843, %get3A_844, %get3A_845] {strides = array<i32>} : memref<2x40x128xf32, #tpu.memory_space<vmem>>, vector<1x1x16xf32>,
        %get3A_847 = vector.shape_cast %get3A_846 : vector<1x1x16xf32> to vector<16xf32>
        %sub3A_848 = arith.subf %get3A_841, %get3A_847 : vector<16xf32>
        %swap3A_849 = arith.constant 1 : i32
        %swap3A_850 = arith.index_cast %swap3A_849 : i32 to index
        %swap3A_851 = arith.index_cast %add3A_695 : i32 to index
        %swap3A_852 = arith.constant 112 : index
        %swap3A_853 = tpu.vector_load %arg10[%swap3A_850, %swap3A_851, %swap3A_852] {strides = array<i32>} : memref<2x40x128xf32, #tpu.memory_space<vmem>>, vector<1x1x16xf32>,
        %swap3A_854 = vector.shape_cast %swap3A_853 : vector<1x1x16xf32> to vector<16xf32>
        %swap3A_855 = vector.shape_cast %sub3A_848 : vector<16xf32> to vector<1x1x16xf32>
        tpu.vector_store %arg10[%swap3A_850, %swap3A_851, %swap3A_852], %swap3A_855 {strides = array<i32>} : memref<2x40x128xf32, #tpu.memory_space<vmem>>, vector<1x1x16xf32>,
      }
      %scan3A_178 = arith.constant 10 : i32
      %mul3A_179 = arith.constant 40 : i32
      %mul3A_180 = arith.muli %add3A_147, %mul3A_179 : i32
      %add3A_181 = arith.addi %mul3A_2, %mul3A_180 : i32
      %dma_start3A_182 = arith.constant 1 : i32
      %dma_start3A_183 = arith.constant 0 : i32
      %dma_start3A_184 = arith.constant 0 : i32
      %dma_start3A_185 = tpu.memref_slice %arg10[%dma_start3A_182, %dma_start3A_183, %dma_start3A_184] : memref<2x40x128xf32, #tpu.memory_space<vmem>> -> memref<1x40x128xf32, #tpu.memory_space<vmem>>
      %dma_start3A_186 = tpu.memref_squeeze %dma_start3A_185 : memref<1x40x128xf32, #tpu.memory_space<vmem>> -> memref<40x128xf32, #tpu.memory_space<vmem>>
      %dma_start3A_187 = arith.constant 0 : i32
      %dma_start3A_188 = tpu.memref_slice %arg5[%add3A_181, %dma_start3A_187] : memref<320000x128xf32, #tpu.memory_space<hbm>> -> memref<40x128xf32, #tpu.memory_space<hbm>>
      %dma_start3A_189 = arith.constant 0 : i32
      %dma_start3A_190 = tpu.memref_slice %arg5[%add3A_181, %dma_start3A_189] : memref<320000x128xf32, #tpu.memory_space<hbm>> -> memref<40x128xf32, #tpu.memory_space<hbm>>
      %dma_start3A_191 = arith.constant 0 : i32
      %dma_start3A_192 = arith.constant 0 : i32
      %dma_start3A_193 = tpu.memref_slice %arg10[%dma_start3A_182, %dma_start3A_191, %dma_start3A_192] : memref<2x40x128xf32, #tpu.memory_space<vmem>> -> memref<1x40x128xf32, #tpu.memory_space<vmem>>
      %dma_start3A_194 = tpu.memref_squeeze %dma_start3A_193 : memref<1x40x128xf32, #tpu.memory_space<vmem>> -> memref<40x128xf32, #tpu.memory_space<vmem>>
      tpu.enqueue_dma source(%dma_start3A_194 : memref<40x128xf32, #tpu.memory_space<vmem>>) target(%dma_start3A_190 : memref<40x128xf32, #tpu.memory_space<hbm>>) target_semaphore(%arg19 : memref<!tpu.dma_semaphore, #tpu.memory_space<semaphore_mem>>)
      %add3A_195 = arith.constant 2 : i32
      %add3A_196 = arith.addi %add3A_147, %add3A_195 : i32
      %lt3A_197 = arith.constant 250 : i32
      %lt3A_198 = arith.cmpi slt, %add3A_196, %lt3A_197 : i32
      %convert_element_type3A_199 = arith.extui %lt3A_198 : i1 to i32
      %cond3A_200 = arith.constant 0 : i32
      %cond3A_201 = arith.cmpi ne, %convert_element_type3A_199, %cond3A_200 : i32
      scf.if %cond3A_201 {
        %add3A_202 = arith.constant 2 : i32
        %add3A_203 = arith.addi %add3A_147, %add3A_202 : i32
        %mul3A_204 = arith.constant 40 : i32
        %mul3A_205 = arith.muli %add3A_203, %mul3A_204 : i32
        %dma_start3A_206 = arith.constant 1 : i32
        %dma_start3A_207 = arith.constant 0 : i32
        %dma_start3A_208 = arith.constant 0 : i32
        %dma_start3A_209 = tpu.memref_slice %arg8[%dma_start3A_206, %dma_start3A_207, %dma_start3A_208] : memref<2x40x128xf32, #tpu.memory_space<vmem>> -> memref<1x40x128xf32, #tpu.memory_space<vmem>>
        %dma_start3A_210 = tpu.memref_squeeze %dma_start3A_209 : memref<1x40x128xf32, #tpu.memory_space<vmem>> -> memref<40x128xf32, #tpu.memory_space<vmem>>
        %dma_start3A_211 = tpu.memref_slice %arg6[%mul3A_205] : memref<10000xi32, #tpu.memory_space<vmem>> -> memref<40xi32, #tpu.memory_space<vmem>>
        %dma_start3A_212 = arith.constant 0 : i32
        %dma_start3A_213 = arith.constant 0 : i32
        %dma_start3A_214 = tpu.memref_slice %arg11[%dma_start3A_212, %dma_start3A_213] : memref<10000x128xf32, #tpu.memory_space<vmem_shared>> -> memref<10000x128xf32, #tpu.memory_space<vmem_shared>>
        tpu.enqueue_indirect_dma source(%dma_start3A_214 : memref<10000x128xf32, #tpu.memory_space<vmem_shared>>) target(%dma_start3A_210 : memref<40x128xf32, #tpu.memory_space<vmem>>) offsets(%dma_start3A_211 : memref<40xi32, #tpu.memory_space<vmem>>) semaphore(%arg15 : memref<!tpu.dma_semaphore, #tpu.memory_space<semaphore_mem>>)
        %mul3A_215 = arith.constant 40 : i32
        %mul3A_216 = arith.muli %add3A_203, %mul3A_215 : i32
        %dma_start3A_217 = arith.constant 1 : i32
        %dma_start3A_218 = arith.constant 0 : i32
        %dma_start3A_219 = arith.constant 0 : i32
        %dma_start3A_220 = tpu.memref_slice %arg9[%dma_start3A_217, %dma_start3A_218, %dma_start3A_219] : memref<2x40x128xf32, #tpu.memory_space<vmem>> -> memref<1x40x128xf32, #tpu.memory_space<vmem>>
        %dma_start3A_221 = tpu.memref_squeeze %dma_start3A_220 : memref<1x40x128xf32, #tpu.memory_space<vmem>> -> memref<40x128xf32, #tpu.memory_space<vmem>>
        %dma_start3A_222 = tpu.memref_slice %arg7[%mul3A_216] : memref<10000xi32, #tpu.memory_space<vmem>> -> memref<40xi32, #tpu.memory_space<vmem>>
        %dma_start3A_223 = arith.constant 0 : i32
        %dma_start3A_224 = arith.constant 0 : i32
        %dma_start3A_225 = tpu.memref_slice %arg11[%dma_start3A_223, %dma_start3A_224] : memref<10000x128xf32, #tpu.memory_space<vmem_shared>> -> memref<10000x128xf32, #tpu.memory_space<vmem_shared>>
        tpu.enqueue_indirect_dma source(%dma_start3A_225 : memref<10000x128xf32, #tpu.memory_space<vmem_shared>>) target(%dma_start3A_221 : memref<40x128xf32, #tpu.memory_space<vmem>>) offsets(%dma_start3A_222 : memref<40xi32, #tpu.memory_space<vmem>>) semaphore(%arg17 : memref<!tpu.dma_semaphore, #tpu.memory_space<semaphore_mem>>)
      } else {
      }
    }
    %scan3A_59 = arith.constant 125 : i32
    %dma_wait3A_60 = arith.constant 0 : i32
    %dma_wait3A_61 = arith.constant 0 : i32
    %dma_wait3A_62 = arith.constant 0 : i32
    %dma_wait3A_63 = tpu.memref_slice %arg10[%dma_wait3A_60, %dma_wait3A_61, %dma_wait3A_62] : memref<2x40x128xf32, #tpu.memory_space<vmem>> -> memref<1x40x128xf32, #tpu.memory_space<vmem>>
    %dma_wait3A_64 = tpu.memref_squeeze %dma_wait3A_63 : memref<1x40x128xf32, #tpu.memory_space<vmem>> -> memref<40x128xf32, #tpu.memory_space<vmem>>
    %dma_wait3A_65 = arith.constant 0 : i32
    %dma_wait3A_66 = tpu.memref_slice %arg5[%mul3A_2, %dma_wait3A_65] : memref<320000x128xf32, #tpu.memory_space<hbm>> -> memref<40x128xf32, #tpu.memory_space<hbm>>
    %dma_wait3A_67 = arith.constant 0 : i32
    %dma_wait3A_68 = tpu.memref_slice %arg5[%mul3A_2, %dma_wait3A_67] : memref<320000x128xf32, #tpu.memory_space<hbm>> -> memref<40x128xf32, #tpu.memory_space<hbm>>
    %dma_wait3A_69 = arith.constant 0 : i32
    %dma_wait3A_70 = arith.constant 0 : i32
    %dma_wait3A_71 = tpu.memref_slice %arg10[%dma_wait3A_60, %dma_wait3A_69, %dma_wait3A_70] : memref<2x40x128xf32, #tpu.memory_space<vmem>> -> memref<1x40x128xf32, #tpu.memory_space<vmem>>
    %dma_wait3A_72 = tpu.memref_squeeze %dma_wait3A_71 : memref<1x40x128xf32, #tpu.memory_space<vmem>> -> memref<40x128xf32, #tpu.memory_space<vmem>>
    tpu.wait_dma2 semaphore(%arg18 : memref<!tpu.dma_semaphore, #tpu.memory_space<semaphore_mem>>) src(%dma_wait3A_72 : memref<40x128xf32, #tpu.memory_space<vmem>>) dst(%dma_wait3A_68 : memref<40x128xf32, #tpu.memory_space<hbm>>)
    %dma_wait3A_73 = arith.constant 1 : i32
    %dma_wait3A_74 = arith.constant 0 : i32
    %dma_wait3A_75 = arith.constant 0 : i32
    %dma_wait3A_76 = tpu.memref_slice %arg10[%dma_wait3A_73, %dma_wait3A_74, %dma_wait3A_75] : memref<2x40x128xf32, #tpu.memory_space<vmem>> -> memref<1x40x128xf32, #tpu.memory_space<vmem>>
    %dma_wait3A_77 = tpu.memref_squeeze %dma_wait3A_76 : memref<1x40x128xf32, #tpu.memory_space<vmem>> -> memref<40x128xf32, #tpu.memory_space<vmem>>
    %dma_wait3A_78 = arith.constant 0 : i32
    %dma_wait3A_79 = tpu.memref_slice %arg5[%mul3A_2, %dma_wait3A_78] : memref<320000x128xf32, #tpu.memory_space<hbm>> -> memref<40x128xf32, #tpu.memory_space<hbm>>
    %dma_wait3A_80 = arith.constant 0 : i32
    %dma_wait3A_81 = tpu.memref_slice %arg5[%mul3A_2, %dma_wait3A_80] : memref<320000x128xf32, #tpu.memory_space<hbm>> -> memref<40x128xf32, #tpu.memory_space<hbm>>
    %dma_wait3A_82 = arith.constant 0 : i32
    %dma_wait3A_83 = arith.constant 0 : i32
    %dma_wait3A_84 = tpu.memref_slice %arg10[%dma_wait3A_73, %dma_wait3A_82, %dma_wait3A_83] : memref<2x40x128xf32, #tpu.memory_space<vmem>> -> memref<1x40x128xf32, #tpu.memory_space<vmem>>
    %dma_wait3A_85 = tpu.memref_squeeze %dma_wait3A_84 : memref<1x40x128xf32, #tpu.memory_space<vmem>> -> memref<40x128xf32, #tpu.memory_space<vmem>>
    tpu.wait_dma2 semaphore(%arg19 : memref<!tpu.dma_semaphore, #tpu.memory_space<semaphore_mem>>) src(%dma_wait3A_85 : memref<40x128xf32, #tpu.memory_space<vmem>>) dst(%dma_wait3A_81 : memref<40x128xf32, #tpu.memory_space<hbm>>)
    return
  }
}

</mosaic_0001>

<sc_bundles>
// kernel: kernel.3.cloned.1.call-start
scs
__scs_entry_jumppad:
0x0: {  	(pc) =	sbr.rel $0x88, $3  }
0x1: {  	(tag) =	ssettag $0x0;
	lr =	simm.s32 $0x1  }
0x2: {  	[smem:$0x3F9F] =	sst lr;
	_ =	strace $0xD0000000  }
0x3: {  	_ = 	snop  }
0x4: {  	_ = 	snop  }
0x5: {  	_ = 	snop  }
0x6: {  	_ = 	snop  }
0x7: {  	_ = 	snop  }
__scs_overlays_trampoline_lowered:
0x8: {  	[smem:$0x3FAE] =	sst s0  }
0x9: {  	[smem:$0x3FAF] =	sst s1  }
0xa: {  	[smem:$0x3FB0] =	sst s2  }
0xb: {  	[smem:$0x3FB1] =	sst s3  }
0xc: {  	[smem:$0x3FB2] =	sst s4  }
0xd: {  	[smem:$0x3FB3] =	sst s5  }
0xe: {  	[smem:$0x3FB4] =	sst s6  }
0xf: {  	[smem:$0x3FB5] =	sst s7  }
0x10: {  	[smem:$0x3FB6] =	sst s8  }
0x11: {  	[smem:$0x3FB7] =	sst s9;
	s0 =	simm.s32 @!p0 $0x0  }
0x12: {  	s1 =	sld [smem:$0x3F9D];
	s0 =	simm.s32 @p0 $0x1  }
0x13: {  	[smem:$0x3FB8] =	sst s0;
	s0 =	simm.s32 @!p1 $0x0  }
0x14: {  	s2 =	sld [smem:$0x3F9C];
	s0 =	simm.s32 @p1 $0x1  }
0x15: {  	[smem:$0x3FB9] =	sst s0;
	s0 =	simm.s32 @!p2 $0x0  }
0x16: {  	s3 =	sld [smem:$0x3FDB];
	s0 =	simm.s32 @p2 $0x1  }
0x17: {  	s4 =	simm.s32 $0x1BF5;
	[smem:$0x3FBB] =	sst s0  }
0x18: {  	s0 =	sld [smem:$0x3F9E];
	_ =	swait.ge [sflag:s4], $0x0  }
0x19: {  	s7 =	sld [smem:$0x3F9F]  }
0x1a: {  	s8 =	sadd.s32 $0xFFFFE003, lr  }
0x1b: {  	s9 =	sadd.s32 $0xFFFFFEF7, lr;
	s5 =	simm.s32 $0xFFFFFFFF;
	p2 =	slt.u32 s8, $0xFFFFF086  }
0x1c: {  	p1 =	slt.u32 s9, $0xF7A;
	s5 =	simm.s32 @!p2 $0x0  }
0x1d: {  	s5 =	simm.s32 @p1 $0x1;
	p0 =	seq.s32 s7, s2  }
0x1e: {  	s7 =	smul.u32 @!p0 $0xF7A, s2;
	p2 =	seq.s32 @!p0 s5, $0x0  }
0x1f: {  	s9 =	smul.u32 $0xF7A, s1;
	s8 =	simm.s32 @!p0 $0x1BF5;
	p2 =	por !p2, p0  }
0x20: {  	[sflag:s8] =	ssyncset.s32 @!p0 $0xFFFFF086;
	s6 =	sadd.s32 @!p0 s3, s7;
	s7 =	simm.s32 @!p0 $0x108  }
0x21: {  	s3 =	sadd.s32 s3, s9;
	s6 =	sadd.s32 @!p0 $0x88, s6;
	s7 =	simm.s32 @p2 $0x1082  }
0x22: {  	[simem:s7], [sflag:s8] =	dma.local @!p0 [hbm:s6], $0xF7A  }
0x23: {  	s9 =	sor.u32 $0xD0000000, s2;
	s6 =	simm.s32 $0x108;
	_ =	swait.ge @!p0 [sflag:s8], $0x0  }
0x24: {  	s3 =	sadd.s32 $0x88, s3;
	s6 =	simm.s32 @!p1 $0x1082;
	[sflag:s4] =	ssyncset.s32 $0xFFFFF086  }
0x25: {  	[simem:s6], [sflag:s4] =	dma.local [hbm:s3], $0xF7A  }
0x26: {  	[smem:$0x3F9F] =	sst s1;
	(tag) =	ssettag s2;
	_ =	strace s9  }
0x27: {  	s1 =	sld [smem:$0x3FAF]  }
0x28: {  	s2 =	sld [smem:$0x3FB0]  }
0x29: {  	s4 =	sld [smem:$0x3FB2]  }
0x2a: {  	p0 =	seq.s32 s5, $0x0;
	s5 =	sld [smem:$0x3FB3]  }
0x2b: {  	s6 =	sld [smem:$0x3FB4]  }
0x2c: {  	s7 =	sld [smem:$0x3FB5]  }
0x2d: {  	s3 =	simm.s32 $0x108;
	s8 =	sld [smem:$0x3FB6]  }
0x2e: {  	s3 =	simm.s32 @!p0 $0x1082;
	s9 =	sld [smem:$0x3FB7]  }
0x2f: {  	lr =	sadd.s32 s0, s3;
	s0 =	sld [smem:$0x3FAE]  }
0x30: {  	s3 =	sld [smem:$0x3FB1]  }
0x31: {  	[smem:$0x3FBA] =	sst s10  }
0x32: {  	s10 =	sld [smem:$0x3FB8];
	_ =	sdelay $0x3  }
0x33: {  	p0 =	seq.s32 s10, $0x1;
	s10 =	sld [smem:$0x3FBA];
	_ =	sdelay $0x3  }
0x34: {  	[smem:$0x3FBA] =	sst s10  }
0x35: {  	s10 =	sld [smem:$0x3FB9];
	_ =	sdelay $0x3  }
0x36: {  	p1 =	seq.s32 s10, $0x1;
	s10 =	sld [smem:$0x3FBA];
	_ =	sdelay $0x3  }
0x37: {  	[smem:$0x3FBA] =	sst s10  }
0x38: {  	s10 =	sld [smem:$0x3FBB]  }
0x39: {  	_ = 	snop;
	(pc) =	sbr.ind lr, $3  }
0x3a: {  	_ = 	snop  }
0x3b: {  	_ = 	snop  }
0x3c: {  	p2 =	seq.s32 s10, $0x1;
	s10 =	sld [smem:$0x3FBA]  }
0x3d: {  	_ =	shalt  }
0x3e: {  	_ =	shalt  }
0x3f: {  	_ =	shalt  }
0x40: {  	_ =	shalt  }
0x41: {  	_ =	shalt  }
0x42: {  	_ =	shalt  }
0x43: {  	_ =	shalt  }
0x44: {  	_ =	shalt  }
0x45: {  	_ =	shalt  }
0x46: {  	_ =	shalt  }
0x47: {  	_ =	shalt  }
0x48: {  	_ =	shalt  }
0x49: {  	_ =	shalt  }
0x4a: {  	_ =	shalt  }
0x4b: {  	_ =	shalt  }
0x4c: {  	_ =	shalt  }
0x4d: {  	_ =	shalt  }
0x4e: {  	_ =	shalt  }
0x4f: {  	_ =	shalt  }
0x50: {  	_ =	shalt  }
0x51: {  	_ =	shalt  }
0x52: {  	_ =	shalt  }
0x53: {  	_ =	shalt  }
0x54: {  	_ =	shalt  }
0x55: {  	_ =	shalt  }
0x56: {  	_ =	shalt  }
0x57: {  	_ =	shalt  }
0x58: {  	_ =	shalt  }
0x59: {  	_ =	shalt  }
0x5a: {  	_ =	shalt  }
0x5b: {  	_ =	shalt  }
0x5c: {  	_ =	shalt  }
0x5d: {  	_ =	shalt  }
0x5e: {  	_ =	shalt  }
0x5f: {  	_ =	shalt  }
0x60: {  	_ =	shalt  }
0x61: {  	_ =	shalt  }
0x62: {  	_ =	shalt  }
0x63: {  	_ =	shalt  }
0x64: {  	_ =	shalt  }
0x65: {  	_ =	shalt  }
0x66: {  	_ =	shalt  }
0x67: {  	_ =	shalt  }
0x68: {  	_ =	shalt  }
0x69: {  	_ =	shalt  }
0x6a: {  	_ =	shalt  }
0x6b: {  	_ =	shalt  }
0x6c: {  	_ =	shalt  }
0x6d: {  	_ =	shalt  }
0x6e: {  	_ =	shalt  }
0x6f: {  	_ =	shalt  }
0x70: {  	_ =	shalt  }
0x71: {  	_ =	shalt  }
0x72: {  	_ =	shalt  }
0x73: {  	_ =	shalt  }
0x74: {  	_ =	shalt  }
0x75: {  	_ =	shalt  }
0x76: {  	_ =	shalt  }
0x77: {  	_ =	shalt  }
0x78: {  	_ =	shalt  }
0x79: {  	_ =	shalt  }
0x7a: {  	_ =	shalt  }
0x7b: {  	_ =	shalt  }
0x7c: {  	_ =	shalt  }
0x7d: {  	_ =	shalt  }
0x7e: {  	_ =	shalt  }
0x7f: {  	_ =	shalt  }
0x80: {  	_ =	shalt  }
0x81: {  	_ =	shalt  }
0x82: {  	_ =	shalt  }
0x83: {  	_ =	shalt  }
0x84: {  	_ =	shalt  }
0x85: {  	_ =	shalt  }
0x86: {  	_ =	shalt  }
0x87: {  	_ =	shalt  }
.Lfunc_end0:
.L_simem_size_0:
called_computation_lowered:
.L_overlay_start_0:
0x88: {  	s2 =	sld [smem:$0x3FD9]  }
0x89: {  	s3 =	sld [smem:$0x3FFE];
	_ =	sdelay $0x1  }
0x8a: {  	s1 =	srdreg.scid  }
0x8b: {  	s0 =	sand.u32 $0x1, s1  }
0x8c: {  	s17 =	sshll.u32 s0, $0xA;
	s2 =	sadd.s32 s3, s2  }
0x8d: {  	s2 =	sadd.s32 s2, s17  }
0x8e: {  	[smem:$0x3FC6] =	sst s2  }
0x8f: {  	_ = 	snop  }
0x90: {  	s2 =	sld [smem:$0x3FC9]  }
0x91: {  	s18 =	sld [smem:$0x3FD0];
	(tm) =	ssettm $0x1  }
0x92: {  	s4 =	sld [smem:$0x3FFB];
	_ =	sdelay $0x3  }
0x93: {  	_ =	strace s4  }
0x94: {  	s4 =	sld [smem:$0x3FFC];
	_ =	sdelay $0x3  }
0x95: {  	_ =	strace s4  }
0x96: {  	s4 =	sld [smem:$0x3FFD];
	_ =	sdelay $0x3  }
0x97: {  	_ =	strace s4  }
0x98: {  	_ =	strace $0x8FFFFFFF  }
0x99: {  	s19 =	sld [smem:$0x3FDB];
	_ =	sdelay $0x1  }
0x9a: {  	s5 =	simm.s32 $_scs_section_size  }
0x9b: {  	s6 =	simm.s32 $_size__tile_overlayer_lowered;
	s7 =	simm.s32 $_tile_overlayer_lowered  }
0x9c: {  	s22 =	simm.s32 $0x1BFF;
	s21 =	sshll.u32 s7, $0x1;
	s4 =	sadd.s32 s5, s19  }
0x9d: {  	s8 =	simm.s32 $0x0;
	s20 =	sshll.u32 s6, $0x1;
	s6 =	sadd.s32 s21, s4  }
0x9e: {  	[timem:s8], [sflag:s22] =	dma.local [hbm:s6], s20  }
0x9f: {  	_ =	swait.ge [sflag:s22], s20  }
0xa0: {  	s5 =	ssub.s32 $0x0, s20;
	[sflag:s22] =	ssyncset.done $0x0  }
0xa1: {  	[sflag:s22] =	ssyncadd.s32 s5;
	_ =	sdelay $0x1  }
0xa2: {  	s23 =	simm.s32 $0x1B8B  }
0xa3: {  	_ =	swait.ge [sflag:s23], $0x1  }
0xa4: {  	[sflag:s23] =	ssyncset.done $0x0  }
0xa5: {  	s25 =	simm.s32 $0x1B8E;
	s24 =	sld [smem:$0x3FFE];
	[sflag:s23] =	ssyncadd.s32 $0xFFFFFFFF  }
0xa6: {  	s26 =	simm.s32 $execute0_lowered;
	[smem:$0x3FD2] =	sst s25  }
0xa7: {  	s6 =	sshll.u32 s26, $0x1;
	_ =	strace $0x80000046;
	[dreg:$0x1] =	wrdreg $0xFFFFFFFF  }
0xa8: {  	s28 =	simm.s32 $_size_execute0_lowered;
	s4 =	sadd.s32 s4, s6;
	[dreg:$0x0] =	wrdreg $0x0  }
0xa9: {  	s6 =	sshll.u32 s28, $0x1;
	[dreg:$0x2] =	wrdreg s4  }
0xaa: {  	[dreg:$0x3] =	wrdreg s6  }
0xab: {  	[dreg:$0x4] =	wrdreg $0xC0  }
0xac: {  	_ =	task [dreg:s8], $0x5FFFF  }
0xad: {  	[dreg:$0x1] =	wrdreg $0xFFFFFFFF  }
0xae: {  	[dreg:$0x0] =	wrdreg $0x60  }
0xaf: {  	[dreg:$0x2] =	wrdreg s2  }
0xb0: {  	[dreg:$0x3] =	wrdreg s24  }
0xb1: {  	[dreg:$0x4] =	wrdreg s18  }
0xb2: {  	[dreg:$0x5] =	wrdreg $0xC7000  }
0xb3: {  	[dreg:$0x6] =	wrdreg $0x9  }
0xb4: {  	_ =	task.clear_ibuf [dreg:s8], $0x7FFFF;
	_ =	strace $0x90000046  }
0xb5: {  	s29 =	simm.s32 $0x9;
	_ =	strace $0x80000048  }
0xb6: {  	_ =	swait.ge [sflag:s29], $0x1  }
0xb7: {  	[sflag:s29] =	ssyncadd.s32 $0xFFFFFFFF  }
0xb8: {  	_ =	strace $0x90000048  }
0xb9: {  	_ =	sfence  }
0xba: {  	s30 =	sld [smem:$0x0];
	_ =	sdelay $0x2  }
0xbb: {  	s31 =	sshll.u32 s1, $0xD;
	s1 =	sshrl.u32 s1, $0x2  }
0xbc: {  	s3 =	sand.u32 $0x4000, s31;
	s1 =	sadd.s32 s1, s30  }
0xbd: {  	s0 =	sor.u32 s3, s0;
	s1 =	sshll.u32 s1, $0x11  }
0xbe: {  	s0 =	sor.u32 s1, s0  }
0xbf: {  	s0 =	sadd.s32 $0x8F2B, s0  }
0xc0: {  	[sflag:s0] =	ssyncadd.remote.s32 $0x1  }
0xc1: {  	_ =	sfence.sel $0xFFFF  }
0xc2: {  	[dreg:$0x0] =	wrdreg $0xFFFFFFFF;
	(pc) =	sbr.abs _section_cstart, $3  }
0xc3: {  	[dreg:$0x1] =	wrdreg $0xFFFFFFFF  }
0xc4: {  	_ =	task.clear_ibuf [dreg:s8], $0x2FFFF;
	_ =	strace $0x9FFFFFFF  }
0xc5: {  	(tm) =	ssettm $0x7FFFFFFF  }
tec
execute0_lowered:
.L_overlay_start_1:
0x0: {  	(tag) =	ssettag $0x1  }
0x1: {  	s0 =	rddreg [dreg:$0x0]  }
0x2: {  	s1 =	rddreg [dreg:$0x1]  }
0x3: {  	s2 =	rddreg [dreg:$0x2];
	s4 =	srdreg.scid  }
0x4: {  	s12 =	stileid.u32;
	s3 =	rddreg [dreg:$0x3];
	s16 =	simm.s32 $0x1  }
0x5: {  	s17 =	simm.s32 $0x2;
	s18 =	simm.s32 $0x28;
	s21 =	simm.s32 $0x6300  }
0x6: {  	s23 =	simm.s32 $0x8B00;
	s24 =	simm.s32 $0x3;
	s28 =	simm.s32 $0x4  }
0x7: {  	s29 =	simm.s32 $0x6;
	s30 =	simm.s32 $0xB300;
	s31 =	simm.s32 $0x7  }
0x8: {  	s6 =	sand.u32 $0x1, s4;
	s5 =	sshll.u32 s12, $0x1;
	s7 =	smul.u32 $0x4E000, s12  }
0x9: {  	s4 =	simm.s32 $0x0;
	s10 =	smul.u32 $0x2700, s12;
	p0 =	seq.s32 s12, $0xF  }
0xa: {  	s5 =	sor.u32 s6, s5;
	[smem:$0x7FF] =	sst s4;
	s6 =	ssub.s32 $0x2, s6  }
0xb: {  	s5 =	smul.u32 $0x2710, s5;
	_ =	strace $0x80000047;
	s8 =	sshrl.u32 s6, $0x1  }
0xc: {  	s25 =	sshrl.u32 s7, $0x2;
	s7 =	sadd.s32 $0x124800, s3;
	s11 =	ssub.s32 s6, s8  }
0xd: {  	s8 =	sadd.s32 s0, s10;
	s13 =	sshrl.u32 @p0 s7, $0x3;
	s9 =	sshrl.u32 s5, $0x3  }
.Ltmp0:
0xe: {  	s10 =	sadd.s32 $0x28, s5;
	s11 =	smax.u32 s11, $0x1;
	(pc) =	sbr.rel .LBB2_1-.Ltmp0, $4  }
0xf: {  	s6 =	sadd.s32 s1, s9;
	s1 =	sadd.s32 s25, s3;
	s9 =	sadd.s32 $0x24900, s0  }
0x10: {  	s0 =	sshll.u32 @!p0 s12, $0x6;
	s25 =	simm.s32 $0x5;
	s26 =	sadd.s32 $0x9E00, s6  }
0x11: {  	s14 =	sor.u32 @!p0 $0x1C09, s0;
	s15 =	sshrl.u32 @!p0 s1, $0x3;
	s1 =	simm.s32 $0x8  }
0x12: {  	s0 =	simm.s32 $0x0;
	[dreg:$0x5] =	wrdreg s26;
	s26 =	simm.s32 $0x9F00  }
.LBB2_8:
0x13: {  	s0 =	sadd.s32 $0x1, s0  }
0x14: {  	_ =	swait.ge [sflag:s31], $0x1400;
	p1 =	sne.s32 s0, s11  }
.Ltmp1:
0x15: {  	[sflag:s31] =	ssyncset.done $0x0;
	(pc) =	sbr.rel @!p1 .LBB2_9-.Ltmp1, $4  }
0x16: {  	[sflag:s31] =	ssyncadd.s32 $0xFFFFEC00  }
0x17: {  	_ =	swait.ge [sflag:s1], $0x1400  }
0x18: {  	[sflag:s1] =	ssyncset.done $0x0  }
0x19: {  	[sflag:s1] =	ssyncadd.s32 $0xFFFFEC00  }
.LBB2_1:
0x1a: {  	s7 =	rddreg [dreg:$0x5]  }
0x1b: {  	[tilespmem:s4], [sflag:$0x1] =	stream.linear.gather [hbm4b:s7+s4], $0x2710, $0x38;
	[tilespmem:$0x1FF80] =	vst v63  }
0x1c: {  	s12 =	simm.s32 $0x2780;
	s7 =	simm.s32 @p0 $0x1FC9  }
0x1d: {  	[tilespmem:s12], [sflag:$0x2] =	stream.linear.gather [hbm4b:s6+s4], $0x2710, $0x38;
	[tilespmem:$0x1FF80] =	vst v63  }
0x1e: {  	[spmem:s13], [sflag:s7] =	dma.local @p0 [hbm:s9], $0x2800  }
0x1f: {  	s7 =	simm.s32 @p0 $0x9  }
0x20: {  	_ =	swait.ge @p0 [sflag:s7], $0x2800  }
0x21: {  	[sflag:s7] =	ssyncset.done @p0 $0x0  }
0x22: {  	[sflag:s7] =	ssyncadd.s32 @p0 $0xFFFFD800;
	s7 =	simm.s32 @!p0 $0x9  }
0x23: {  	[spmem:s15], [sflag:s14] =	dma.local @!p0 [hbm:s8], $0x2700  }
0x24: {  	_ =	swait.ge @!p0 [sflag:s7], $0x2700  }
0x25: {  	[sflag:s7] =	ssyncset.done @!p0 $0x0  }
0x26: {  	[sflag:s7] =	ssyncadd.s32 @!p0 $0xFFFFD900  }
0x27: {  	[bflag:$0x0] =	sbarrier.arrive $0xFFFF  }
0x28: {  	_ =	swait.ge [sflag:s16], $0x2710  }
0x29: {  	[sflag:s16] =	ssyncset.done $0x0  }
0x2a: {  	[sflag:s16] =	ssyncadd.s32 $0xFFFFD8F0  }
0x2b: {  	_ =	swait.ge [sflag:s17], $0x2710  }
0x2c: {  	[sflag:s17] =	ssyncset.done $0x0  }
0x2d: {  	s19 =	simm.s32 $0x4F00;
	[sflag:s17] =	ssyncadd.s32 $0xFFFFD8F0  }
0x2e: {  	[tilespmem:s19], [sflag:$0x3] =	stream.indirect.gather [spmem:s3], $0x80, s4, s18, $0xb8;
	[tilespmem:$0x1FF80] =	vst v63  }
0x2f: {  	s20 =	simm.s32 $0x7700  }
0x30: {  	[tilespmem:s20], [sflag:$0x5] =	stream.indirect.gather [spmem:s3], $0x80, s12, s18, $0xb8;
	[tilespmem:$0x1FF80] =	vst v63  }
0x31: {  	_ = 	snop  }
0x32: {  	[tilespmem:s21], [sflag:$0x4] =	stream.indirect.gather [spmem:s3], $0x80, s18, s18, $0xb8;
	[tilespmem:$0x1FF80] =	vst v63  }
0x33: {  	s22 =	simm.s32 $0x27A8;
	s19 =	simm.s32 $0x0  }
0x34: {  	[tilespmem:s23], [sflag:$0x6] =	stream.indirect.gather [spmem:s3], $0x80, s22, s18, $0xb8;
	[tilespmem:$0x1FF80] =	vst v63  }
.LBB2_2:
0x35: {  	_ =	swait.ge [sflag:s24], $0x1400  }
0x36: {  	[sflag:s24] =	ssyncset.done $0x0  }
0x37: {  	[sflag:s24] =	ssyncadd.s32 $0xFFFFEC00  }
0x38: {  	_ =	swait.ge [sflag:s25], $0x1400  }
0x39: {  	p1 =	seq.s32 s19, $0x0;
	[sflag:s25] =	ssyncset.done $0x0  }
0x3a: {  	s7 =	simm.s32 @!p1 $0x7;
	[sflag:s25] =	ssyncadd.s32 $0xFFFFEC00  }
0x3b: {  	_ =	swait.ge @!p1 [sflag:s7], $0x1400  }
0x3c: {  	[sflag:s7] =	ssyncset.done @!p1 $0x0  }
0x3d: {  	s20 =	simm.s32 $0x0;
	[sflag:s7] =	ssyncadd.s32 @!p1 $0xFFFFEC00  }
0x3e: {  	v0 =	vld [tilespmem:s20+$0x78F0]  }
0x3f: {  	v1 =	vld [tilespmem:s20+$0x50F0]  }
0x40: {  	v2 =	vld [tilespmem:s20+$0x7700]  }
0x41: {  	v3 =	vld [tilespmem:s20+$0x4F00]  }
0x42: {  	v4 =	vld [tilespmem:s20+$0x7710]  }
0x43: {  	v5 =	vld [tilespmem:s20+$0x4F10]  }
0x44: {  	v6 =	vld [tilespmem:s20+$0x7720]  }
0x45: {  	v7 =	vld [tilespmem:s20+$0x7730];
	v0 =	vsub.f32 v0, v1  }
0x46: {  	v1 =	vld [tilespmem:s20+$0x4F20]  }
0x47: {  	v2 =	vsub.f32 v2, v3;
	[tilespmem:s20+$0xA0F0] =	vst v0;
	v0 =	vld [tilespmem:s20+$0x4F30]  }
0x48: {  	v3 =	vld [tilespmem:s20+$0x7740]  }
0x49: {  	[tilespmem:s20+$0x9F00] =	vst v2;
	v2 =	vsub.f32 v4, v5;
	v4 =	vld [tilespmem:s20+$0x4F40]  }
0x4a: {  	v5 =	vld [tilespmem:s20+$0x4F50]  }
0x4b: {  	[tilespmem:s20+$0x9F10] =	vst v2;
	v2 =	vld [tilespmem:s20+$0x7750];
	v1 =	vsub.f32 v6, v1  }
0x4c: {  	v6 =	vld [tilespmem:s20+$0x4F60];
	v0 =	vsub.f32 v7, v0  }
0x4d: {  	[tilespmem:s20+$0x9F20] =	vst v1;
	v1 =	vld [tilespmem:s20+$0x7760]  }
0x4e: {  	[tilespmem:s20+$0x9F30] =	vst v0;
	v0 =	vsub.f32 v3, v4;
	v3 =	vld [tilespmem:s20+$0x7770]  }
0x4f: {  	v4 =	vld [tilespmem:s20+$0x4F70]  }
0x50: {  	[tilespmem:s20+$0x9F40] =	vst v0;
	v0 =	vsub.f32 v2, v5;
	v2 =	vld [tilespmem:s20+$0x7780]  }
0x51: {  	v5 =	vld [tilespmem:s20+$0x4F80]  }
0x52: {  	[tilespmem:s20+$0x9F50] =	vst v0;
	v0 =	vsub.f32 v1, v6;
	v1 =	vld [tilespmem:s20+$0x7790]  }
0x53: {  	v6 =	vld [tilespmem:s20+$0x4F90]  }
0x54: {  	[tilespmem:s20+$0x9F60] =	vst v0;
	v0 =	vsub.f32 v3, v4;
	v3 =	vld [tilespmem:s20+$0x77A0]  }
0x55: {  	v4 =	vld [tilespmem:s20+$0x4FA0]  }
0x56: {  	[tilespmem:s20+$0x9F70] =	vst v0;
	v0 =	vsub.f32 v2, v5;
	v2 =	vld [tilespmem:s20+$0x77B0]  }
0x57: {  	v5 =	vld [tilespmem:s20+$0x4FB0]  }
0x58: {  	[tilespmem:s20+$0x9F80] =	vst v0;
	v0 =	vsub.f32 v1, v6;
	v1 =	vld [tilespmem:s20+$0x77C0]  }
0x59: {  	v6 =	vld [tilespmem:s20+$0x4FC0]  }
0x5a: {  	[tilespmem:s20+$0x9F90] =	vst v0;
	v0 =	vsub.f32 v3, v4;
	v3 =	vld [tilespmem:s20+$0x77D0]  }
0x5b: {  	v4 =	vld [tilespmem:s20+$0x4FD0]  }
0x5c: {  	[tilespmem:s20+$0x9FA0] =	vst v0;
	v0 =	vsub.f32 v2, v5;
	v2 =	vld [tilespmem:s20+$0x77E0]  }
0x5d: {  	v5 =	vld [tilespmem:s20+$0x4FE0]  }
0x5e: {  	[tilespmem:s20+$0x9FB0] =	vst v0;
	v0 =	vsub.f32 v1, v6;
	v1 =	vld [tilespmem:s20+$0x77F0]  }
0x5f: {  	v6 =	vld [tilespmem:s20+$0x4FF0]  }
0x60: {  	[tilespmem:s20+$0x9FC0] =	vst v0;
	v0 =	vsub.f32 v3, v4;
	v3 =	vld [tilespmem:s20+$0x7800]  }
0x61: {  	v4 =	vld [tilespmem:s20+$0x5000]  }
0x62: {  	[tilespmem:s20+$0x9FD0] =	vst v0;
	v0 =	vsub.f32 v2, v5;
	v2 =	vld [tilespmem:s20+$0x7810]  }
0x63: {  	v5 =	vld [tilespmem:s20+$0x5010]  }
0x64: {  	[tilespmem:s20+$0x9FE0] =	vst v0;
	v0 =	vsub.f32 v1, v6;
	v1 =	vld [tilespmem:s20+$0x7820]  }
0x65: {  	v6 =	vld [tilespmem:s20+$0x5020]  }
0x66: {  	[tilespmem:s20+$0x9FF0] =	vst v0;
	v0 =	vsub.f32 v3, v4;
	v3 =	vld [tilespmem:s20+$0x7830]  }
0x67: {  	v4 =	vld [tilespmem:s20+$0x5030]  }
0x68: {  	[tilespmem:s20+$0xA000] =	vst v0;
	v0 =	vsub.f32 v2, v5;
	v2 =	vld [tilespmem:s20+$0x7840]  }
0x69: {  	v5 =	vld [tilespmem:s20+$0x5040]  }
0x6a: {  	[tilespmem:s20+$0xA010] =	vst v0;
	v0 =	vsub.f32 v1, v6;
	v1 =	vld [tilespmem:s20+$0x7850]  }
0x6b: {  	v6 =	vld [tilespmem:s20+$0x5050]  }
0x6c: {  	[tilespmem:s20+$0xA020] =	vst v0;
	v0 =	vsub.f32 v3, v4;
	v3 =	vld [tilespmem:s20+$0x7860]  }
0x6d: {  	v4 =	vld [tilespmem:s20+$0x5060]  }
0x6e: {  	[tilespmem:s20+$0xA030] =	vst v0;
	v0 =	vsub.f32 v2, v5;
	v2 =	vld [tilespmem:s20+$0x7870]  }
0x6f: {  	v5 =	vld [tilespmem:s20+$0x5070]  }
0x70: {  	[tilespmem:s20+$0xA040] =	vst v0;
	v0 =	vsub.f32 v1, v6;
	v1 =	vld [tilespmem:s20+$0x7880]  }
0x71: {  	v6 =	vld [tilespmem:s20+$0x5080]  }
0x72: {  	[tilespmem:s20+$0xA050] =	vst v0;
	v0 =	vsub.f32 v3, v4;
	v3 =	vld [tilespmem:s20+$0x7890]  }
0x73: {  	v4 =	vld [tilespmem:s20+$0x5090]  }
0x74: {  	[tilespmem:s20+$0xA060] =	vst v0;
	v0 =	vsub.f32 v2, v5;
	v2 =	vld [tilespmem:s20+$0x78A0]  }
0x75: {  	v5 =	vld [tilespmem:s20+$0x50A0]  }
0x76: {  	[tilespmem:s20+$0xA070] =	vst v0;
	v0 =	vsub.f32 v1, v6;
	v1 =	vld [tilespmem:s20+$0x78B0]  }
0x77: {  	v6 =	vld [tilespmem:s20+$0x50B0]  }
0x78: {  	v8 =	vld [tilespmem:s20+$0x50C0]  }
0x79: {  	v7 =	vld [tilespmem:s20+$0x78C0];
	[tilespmem:s20+$0xA080] =	vst v0;
	v0 =	vsub.f32 v3, v4  }
0x7a: {  	v3 =	vld [tilespmem:s20+$0x50D0]  }
0x7b: {  	[tilespmem:s20+$0xA090] =	vst v0;
	v0 =	vsub.f32 v2, v5;
	v2 =	vld [tilespmem:s20+$0x78D0]  }
0x7c: {  	v4 =	vld [tilespmem:s20+$0x50E0];
	v5 =	vsub.f32 v1, v6  }
0x7d: {  	s12 =	simm.s32 $0x200;
	[tilespmem:s20+$0xA0A0] =	vst v0;
	v0 =	vld [tilespmem:s20+$0x78E0]  }
0x7e: {  	s22 =	simm.s32 $0x1000;
	v1 =	vld [tilespmem:s12+$0x78F0];
	[tilespmem:s20+$0xA0B0] =	vst v5;
	v5 =	vsub.f32 v7, v8  }
.LBB2_3:
0x7f: {  	p2 =	sne.s32 s22, $0x4800;
	v6 =	vld [tilespmem:s12+$0x50F0]  }
0x80: {  	v7 =	vld [tilespmem:s12+$0x7700];
	[tilespmem:s20+$0xA0C0] =	vst v5;
	v2 =	vsub.f32 v2, v3  }
0x81: {  	v3 =	vld [tilespmem:s12+$0x4F00]  }
0x82: {  	v5 =	vld [tilespmem:s12+$0x7710];
	[tilespmem:s20+$0xA0D0] =	vst v2;
	v0 =	vsub.f32 v0, v4  }
0x83: {  	v2 =	vld [tilespmem:s12+$0x4F10]  }
0x84: {  	v4 =	vld [tilespmem:s12+$0x7720];
	v1 =	vsub.f32 v1, v6;
	[tilespmem:s20+$0xA0E0] =	vst v0;
	s20 =	smov.u32 s12  }
0x85: {  	v0 =	vld [tilespmem:s20+$0x4F20]  }
0x86: {  	v3 =	vsub.f32 v7, v3;
	v6 =	vld [tilespmem:s20+$0x7730];
	[tilespmem:s20+$0xA0F0] =	vst v1  }
0x87: {  	v1 =	vld [tilespmem:s20+$0x4F30]  }
0x88: {  	[tilespmem:s20+$0x9F00] =	vst v3;
	v2 =	vsub.f32 v5, v2;
	v3 =	vld [tilespmem:s20+$0x7740]  }
0x89: {  	v5 =	vld [tilespmem:s20+$0x4F40]  }
0x8a: {  	[tilespmem:s20+$0x9F10] =	vst v2;
	v0 =	vsub.f32 v4, v0;
	v2 =	vld [tilespmem:s20+$0x7750]  }
0x8b: {  	v4 =	vld [tilespmem:s20+$0x4F50]  }
0x8c: {  	[tilespmem:s20+$0x9F20] =	vst v0;
	v0 =	vsub.f32 v6, v1;
	v1 =	vld [tilespmem:s20+$0x7760]  }
0x8d: {  	v6 =	vld [tilespmem:s20+$0x4F60]  }
0x8e: {  	[tilespmem:s20+$0x9F30] =	vst v0;
	v0 =	vsub.f32 v3, v5;
	v3 =	vld [tilespmem:s20+$0x7770]  }
0x8f: {  	v5 =	vld [tilespmem:s20+$0x4F70]  }
0x90: {  	[tilespmem:s20+$0x9F40] =	vst v0;
	v0 =	vsub.f32 v2, v4;
	v2 =	vld [tilespmem:s20+$0x7780]  }
0x91: {  	v4 =	vld [tilespmem:s20+$0x4F80]  }
0x92: {  	[tilespmem:s20+$0x9F50] =	vst v0;
	v0 =	vsub.f32 v1, v6;
	v1 =	vld [tilespmem:s20+$0x7790]  }
0x93: {  	v6 =	vld [tilespmem:s20+$0x4F90]  }
0x94: {  	[tilespmem:s20+$0x9F60] =	vst v0;
	v0 =	vsub.f32 v3, v5;
	v3 =	vld [tilespmem:s20+$0x77A0]  }
0x95: {  	v5 =	vld [tilespmem:s20+$0x4FA0]  }
0x96: {  	[tilespmem:s20+$0x9F70] =	vst v0;
	v0 =	vsub.f32 v2, v4;
	v2 =	vld [tilespmem:s20+$0x77B0]  }
0x97: {  	v4 =	vld [tilespmem:s20+$0x4FB0]  }
0x98: {  	[tilespmem:s20+$0x9F80] =	vst v0;
	v0 =	vsub.f32 v1, v6;
	v1 =	vld [tilespmem:s20+$0x77C0]  }
0x99: {  	v6 =	vld [tilespmem:s20+$0x4FC0]  }
0x9a: {  	[tilespmem:s20+$0x9F90] =	vst v0;
	v0 =	vsub.f32 v3, v5;
	v3 =	vld [tilespmem:s20+$0x77D0]  }
0x9b: {  	v5 =	vld [tilespmem:s20+$0x4FD0]  }
0x9c: {  	[tilespmem:s20+$0x9FA0] =	vst v0;
	v0 =	vsub.f32 v2, v4;
	v2 =	vld [tilespmem:s20+$0x77E0]  }
0x9d: {  	v4 =	vld [tilespmem:s20+$0x4FE0]  }
0x9e: {  	[tilespmem:s20+$0x9FB0] =	vst v0;
	v0 =	vsub.f32 v1, v6;
	v1 =	vld [tilespmem:s20+$0x77F0]  }
0x9f: {  	v6 =	vld [tilespmem:s20+$0x4FF0]  }
0xa0: {  	[tilespmem:s20+$0x9FC0] =	vst v0;
	v0 =	vsub.f32 v3, v5;
	v3 =	vld [tilespmem:s20+$0x7800]  }
0xa1: {  	v5 =	vld [tilespmem:s20+$0x5000]  }
0xa2: {  	[tilespmem:s20+$0x9FD0] =	vst v0;
	v0 =	vsub.f32 v2, v4;
	v2 =	vld [tilespmem:s20+$0x7810]  }
0xa3: {  	v4 =	vld [tilespmem:s20+$0x5010]  }
0xa4: {  	[tilespmem:s20+$0x9FE0] =	vst v0;
	v0 =	vsub.f32 v1, v6;
	v1 =	vld [tilespmem:s20+$0x7820]  }
0xa5: {  	v6 =	vld [tilespmem:s20+$0x5020]  }
0xa6: {  	[tilespmem:s20+$0x9FF0] =	vst v0;
	v0 =	vsub.f32 v3, v5;
	v3 =	vld [tilespmem:s20+$0x7830]  }
0xa7: {  	v5 =	vld [tilespmem:s20+$0x5030]  }
0xa8: {  	[tilespmem:s20+$0xA000] =	vst v0;
	v0 =	vsub.f32 v2, v4;
	v2 =	vld [tilespmem:s20+$0x7840]  }
0xa9: {  	v4 =	vld [tilespmem:s20+$0x5040]  }
0xaa: {  	[tilespmem:s20+$0xA010] =	vst v0;
	v0 =	vsub.f32 v1, v6;
	v1 =	vld [tilespmem:s20+$0x7850]  }
0xab: {  	v6 =	vld [tilespmem:s20+$0x5050]  }
0xac: {  	[tilespmem:s20+$0xA020] =	vst v0;
	v0 =	vsub.f32 v3, v5;
	v3 =	vld [tilespmem:s20+$0x7860]  }
0xad: {  	v5 =	vld [tilespmem:s20+$0x5060]  }
0xae: {  	[tilespmem:s20+$0xA030] =	vst v0;
	v0 =	vsub.f32 v2, v4;
	v2 =	vld [tilespmem:s20+$0x7870]  }
0xaf: {  	v4 =	vld [tilespmem:s20+$0x5070]  }
0xb0: {  	[tilespmem:s20+$0xA040] =	vst v0;
	v0 =	vsub.f32 v1, v6;
	v1 =	vld [tilespmem:s20+$0x7880]  }
0xb1: {  	v6 =	vld [tilespmem:s20+$0x5080]  }
0xb2: {  	[tilespmem:s20+$0xA050] =	vst v0;
	v0 =	vsub.f32 v3, v5;
	v3 =	vld [tilespmem:s20+$0x7890]  }
0xb3: {  	v5 =	vld [tilespmem:s20+$0x5090]  }
0xb4: {  	[tilespmem:s20+$0xA060] =	vst v0;
	v0 =	vsub.f32 v2, v4;
	v2 =	vld [tilespmem:s20+$0x78A0]  }
0xb5: {  	v4 =	vld [tilespmem:s20+$0x50A0]  }
0xb6: {  	[tilespmem:s20+$0xA070] =	vst v0;
	v0 =	vsub.f32 v1, v6;
	v1 =	vld [tilespmem:s20+$0x78B0]  }
0xb7: {  	v6 =	vld [tilespmem:s20+$0x50B0]  }
0xb8: {  	[tilespmem:s20+$0xA080] =	vst v0;
	v0 =	vsub.f32 v3, v5;
	v5 =	vld [tilespmem:s20+$0x78C0]  }
0xb9: {  	v7 =	vld [tilespmem:s20+$0x50C0]  }
.Ltmp2:
0xba: {  	[tilespmem:s20+$0xA090] =	vst v0;
	v0 =	vsub.f32 v2, v4;
	v2 =	vld [tilespmem:s20+$0x78D0];
	(pc) =	sbr.rel @p2 .LBB2_3-.Ltmp2, $4  }
0xbb: {  	v3 =	vld [tilespmem:s20+$0x50D0]  }
0xbc: {  	[tilespmem:s20+$0xA0A0] =	vst v0;
	v6 =	vsub.f32 v1, v6;
	v0 =	vld [tilespmem:s20+$0x78E0]  }
0xbd: {  	s12 =	sshra.s32 s22, $0x2;
	v4 =	vld [tilespmem:s20+$0x50E0]  }
0xbe: {  	s22 =	sadd.s32 $0x800, s22;
	v1 =	vld [tilespmem:s12+$0x78F0];
	[tilespmem:s20+$0xA0B0] =	vst v6;
	v5 =	vsub.f32 v5, v7  }
0xbf: {  	v6 =	vld [tilespmem:s12+$0x50F0]  }
0xc0: {  	v7 =	vld [tilespmem:s12+$0x7700];
	[tilespmem:s20+$0xA0C0] =	vst v5;
	v2 =	vsub.f32 v2, v3  }
0xc1: {  	v3 =	vld [tilespmem:s12+$0x4F00]  }
0xc2: {  	v5 =	vld [tilespmem:s12+$0x7710];
	[tilespmem:s20+$0xA0D0] =	vst v2;
	v0 =	vsub.f32 v0, v4  }
0xc3: {  	v2 =	vld [tilespmem:s12+$0x4F10]  }
0xc4: {  	v4 =	vld [tilespmem:s12+$0x7720];
	[tilespmem:s20+$0xA0E0] =	vst v0  }
0xc5: {  	v0 =	vsub.f32 v1, v6;
	v1 =	vld [tilespmem:s12+$0x4F20]  }
0xc6: {  	v6 =	vld [tilespmem:s12+$0x7730]  }
0xc7: {  	v3 =	vsub.f32 v7, v3;
	[tilespmem:s12+$0xA0F0] =	vst v0;
	v0 =	vld [tilespmem:s12+$0x4F30]  }
0xc8: {  	v7 =	vld [tilespmem:s12+$0x50E0]  }
0xc9: {  	[tilespmem:s12+$0x9F00] =	vst v3;
	v2 =	vsub.f32 v5, v2;
	v3 =	vld [tilespmem:s12+$0x7740]  }
0xca: {  	v5 =	vld [tilespmem:s12+$0x4F40]  }
0xcb: {  	[tilespmem:s12+$0x9F10] =	vst v2;
	v2 =	vld [tilespmem:s12+$0x7750]  }
0xcc: {  	v1 =	vsub.f32 v4, v1;
	v4 =	vld [tilespmem:s12+$0x4F50]  }
0xcd: {  	v0 =	vsub.f32 v6, v0;
	v6 =	vld [tilespmem:s12+$0x4F60]  }
0xce: {  	[tilespmem:s12+$0x9F20] =	vst v1;
	v1 =	vld [tilespmem:s12+$0x7760]  }
0xcf: {  	[tilespmem:s12+$0x9F30] =	vst v0;
	v0 =	vsub.f32 v3, v5;
	v3 =	vld [tilespmem:s12+$0x7770]  }
0xd0: {  	v5 =	vld [tilespmem:s12+$0x4F70]  }
0xd1: {  	[tilespmem:s12+$0x9F40] =	vst v0;
	v0 =	vsub.f32 v2, v4;
	v2 =	vld [tilespmem:s12+$0x7780]  }
0xd2: {  	v4 =	vld [tilespmem:s12+$0x4F80]  }
0xd3: {  	[tilespmem:s12+$0x9F50] =	vst v0;
	v0 =	vsub.f32 v1, v6;
	v1 =	vld [tilespmem:s12+$0x7790]  }
0xd4: {  	v6 =	vld [tilespmem:s12+$0x4F90]  }
0xd5: {  	[tilespmem:s12+$0x9F60] =	vst v0;
	v0 =	vsub.f32 v3, v5;
	v3 =	vld [tilespmem:s12+$0x77A0]  }
0xd6: {  	v5 =	vld [tilespmem:s12+$0x4FA0]  }
0xd7: {  	[tilespmem:s12+$0x9F70] =	vst v0;
	v0 =	vsub.f32 v2, v4;
	v2 =	vld [tilespmem:s12+$0x77B0]  }
0xd8: {  	v4 =	vld [tilespmem:s12+$0x4FB0]  }
0xd9: {  	[tilespmem:s12+$0x9F80] =	vst v0;
	v0 =	vsub.f32 v1, v6;
	v1 =	vld [tilespmem:s12+$0x77C0]  }
0xda: {  	v6 =	vld [tilespmem:s12+$0x4FC0]  }
0xdb: {  	[tilespmem:s12+$0x9F90] =	vst v0;
	v0 =	vsub.f32 v3, v5;
	v3 =	vld [tilespmem:s12+$0x77D0]  }
0xdc: {  	v5 =	vld [tilespmem:s12+$0x4FD0]  }
0xdd: {  	[tilespmem:s12+$0x9FA0] =	vst v0;
	v0 =	vsub.f32 v2, v4;
	v2 =	vld [tilespmem:s12+$0x77E0]  }
0xde: {  	v4 =	vld [tilespmem:s12+$0x4FE0]  }
0xdf: {  	[tilespmem:s12+$0x9FB0] =	vst v0;
	v0 =	vsub.f32 v1, v6;
	v1 =	vld [tilespmem:s12+$0x77F0]  }
0xe0: {  	v6 =	vld [tilespmem:s12+$0x4FF0]  }
0xe1: {  	[tilespmem:s12+$0x9FC0] =	vst v0;
	v0 =	vsub.f32 v3, v5;
	v3 =	vld [tilespmem:s12+$0x7800]  }
0xe2: {  	v5 =	vld [tilespmem:s12+$0x5000]  }
0xe3: {  	[tilespmem:s12+$0x9FD0] =	vst v0;
	v0 =	vsub.f32 v2, v4;
	v2 =	vld [tilespmem:s12+$0x7810]  }
0xe4: {  	v4 =	vld [tilespmem:s12+$0x5010]  }
0xe5: {  	[tilespmem:s12+$0x9FE0] =	vst v0;
	v0 =	vsub.f32 v1, v6;
	v1 =	vld [tilespmem:s12+$0x7820]  }
0xe6: {  	v6 =	vld [tilespmem:s12+$0x5020]  }
0xe7: {  	[tilespmem:s12+$0x9FF0] =	vst v0;
	v0 =	vsub.f32 v3, v5;
	v3 =	vld [tilespmem:s12+$0x7830]  }
0xe8: {  	v5 =	vld [tilespmem:s12+$0x5030]  }
0xe9: {  	[tilespmem:s12+$0xA000] =	vst v0;
	v0 =	vsub.f32 v2, v4;
	v2 =	vld [tilespmem:s12+$0x7840]  }
0xea: {  	v4 =	vld [tilespmem:s12+$0x5040]  }
0xeb: {  	[tilespmem:s12+$0xA010] =	vst v0;
	v0 =	vsub.f32 v1, v6;
	v1 =	vld [tilespmem:s12+$0x7850]  }
0xec: {  	v6 =	vld [tilespmem:s12+$0x5050]  }
0xed: {  	[tilespmem:s12+$0xA020] =	vst v0;
	v0 =	vsub.f32 v3, v5;
	v3 =	vld [tilespmem:s12+$0x7860]  }
0xee: {  	v5 =	vld [tilespmem:s12+$0x5060]  }
0xef: {  	[tilespmem:s12+$0xA030] =	vst v0;
	v0 =	vsub.f32 v2, v4;
	v2 =	vld [tilespmem:s12+$0x7870]  }
0xf0: {  	v4 =	vld [tilespmem:s12+$0x5070]  }
0xf1: {  	[tilespmem:s12+$0xA040] =	vst v0;
	v0 =	vsub.f32 v1, v6;
	v1 =	vld [tilespmem:s12+$0x7880]  }
0xf2: {  	v6 =	vld [tilespmem:s12+$0x5080]  }
0xf3: {  	[tilespmem:s12+$0xA050] =	vst v0;
	v0 =	vsub.f32 v3, v5;
	v3 =	vld [tilespmem:s12+$0x7890]  }
0xf4: {  	v5 =	vld [tilespmem:s12+$0x5090]  }
0xf5: {  	[tilespmem:s12+$0xA060] =	vst v0;
	v0 =	vsub.f32 v2, v4;
	v2 =	vld [tilespmem:s12+$0x78A0]  }
0xf6: {  	v4 =	vld [tilespmem:s12+$0x50A0]  }
0xf7: {  	[tilespmem:s12+$0xA070] =	vst v0;
	v0 =	vsub.f32 v1, v6;
	v1 =	vld [tilespmem:s12+$0x78B0]  }
0xf8: {  	v6 =	vld [tilespmem:s12+$0x50B0]  }
0xf9: {  	[tilespmem:s12+$0xA080] =	vst v0;
	v0 =	vsub.f32 v3, v5;
	v3 =	vld [tilespmem:s12+$0x78C0]  }
0xfa: {  	v5 =	vld [tilespmem:s12+$0x50C0]  }
0xfb: {  	[tilespmem:s12+$0xA090] =	vst v0;
	v0 =	vsub.f32 v2, v4;
	v2 =	vld [tilespmem:s12+$0x78D0]  }
0xfc: {  	v4 =	vld [tilespmem:s12+$0x50D0]  }
0xfd: {  	[tilespmem:s12+$0xA0A0] =	vst v0;
	v0 =	vld [tilespmem:s12+$0x78E0];
	_ =	sdelay $0x1  }
0xfe: {  	v1 =	vsub.f32 v1, v6  }
0xff: {  	s20 =	smul.u32 $0x50, s19;
	v3 =	vsub.f32 v3, v5  }
0x100: {  	[tilespmem:s12+$0xA0B0] =	vst v1;
	v1 =	vsub.f32 v2, v4  }
0x101: {  	s7 =	sadd.s32 s5, s20;
	[tilespmem:s12+$0xA0C0] =	vst v3;
	v0 =	vsub.f32 v0, v7  }
0x102: {  	s7 =	sshll.u32 s7, $0x4;
	[tilespmem:s12+$0xA0D0] =	vst v1  }
0x103: {  	p2 =	seq.s32 s19, $0x7C;
	s7 =	sadd.s32 s2, s7;
	[tilespmem:s12+$0xA0E0] =	vst v0  }
0x104: {  	[hbm4b:s7+s4] =	stream.linear.scatter [tilespmem:s26], [sflag:$0x7], $0x1400, $0x38;
	[tilespmem:$0x1FF80] =	vst v63  }
0x105: {  	s22 =	simm.s32 @!p2 $0x4F00;
	s12 =	simm.s32 @!p2 $0x28;
	s7 =	sadd.s32 @!p2 $0x50, s20  }
0x106: {  	[tilespmem:s22], [sflag:$0x3] =	stream.indirect.gather @!p2 [spmem:s3], $0x80, s7, s12, $0xb8;
	[tilespmem:$0x1FF80] =	vst v63  }
0x107: {  	s7 =	sadd.s32 @!p2 $0x27D0, s20;
	s22 =	simm.s32 @!p2 $0x7700  }
0x108: {  	[tilespmem:s22], [sflag:$0x5] =	stream.indirect.gather @!p2 [spmem:s3], $0x80, s7, s12, $0xb8;
	[tilespmem:$0x1FF80] =	vst v63  }
0x109: {  	_ =	swait.ge [sflag:s28], $0x1400  }
0x10a: {  	[sflag:s28] =	ssyncset.done $0x0  }
0x10b: {  	[sflag:s28] =	ssyncadd.s32 $0xFFFFEC00  }
0x10c: {  	_ =	swait.ge [sflag:s29], $0x1400  }
0x10d: {  	[sflag:s29] =	ssyncset.done $0x0  }
0x10e: {  	s7 =	simm.s32 @!p1 $0x8;
	[sflag:s29] =	ssyncadd.s32 $0xFFFFEC00  }
0x10f: {  	_ =	swait.ge @!p1 [sflag:s7], $0x1400  }
0x110: {  	[sflag:s7] =	ssyncset.done @!p1 $0x0  }
0x111: {  	s22 =	simm.s32 $0x0;
	[sflag:s7] =	ssyncadd.s32 @!p1 $0xFFFFEC00  }
0x112: {  	v0 =	vld [tilespmem:s22+$0x8CF0]  }
0x113: {  	v1 =	vld [tilespmem:s22+$0x64F0]  }
0x114: {  	v2 =	vld [tilespmem:s22+$0x8B00]  }
0x115: {  	v3 =	vld [tilespmem:s22+$0x6300]  }
0x116: {  	v4 =	vld [tilespmem:s22+$0x8B10]  }
0x117: {  	v5 =	vld [tilespmem:s22+$0x6310]  }
0x118: {  	v6 =	vld [tilespmem:s22+$0x8B20]  }
0x119: {  	v7 =	vld [tilespmem:s22+$0x8B30];
	v0 =	vsub.f32 v0, v1  }
0x11a: {  	v1 =	vld [tilespmem:s22+$0x6320]  }
0x11b: {  	v2 =	vsub.f32 v2, v3;
	[tilespmem:s22+$0xB4F0] =	vst v0;
	v0 =	vld [tilespmem:s22+$0x6330]  }
0x11c: {  	v3 =	vld [tilespmem:s22+$0x8B40]  }
0x11d: {  	[tilespmem:s22+$0xB300] =	vst v2;
	v2 =	vsub.f32 v4, v5;
	v4 =	vld [tilespmem:s22+$0x6340]  }
0x11e: {  	v5 =	vld [tilespmem:s22+$0x6350]  }
0x11f: {  	[tilespmem:s22+$0xB310] =	vst v2;
	v2 =	vld [tilespmem:s22+$0x8B50];
	v1 =	vsub.f32 v6, v1  }
0x120: {  	v6 =	vld [tilespmem:s22+$0x6360];
	v0 =	vsub.f32 v7, v0  }
0x121: {  	[tilespmem:s22+$0xB320] =	vst v1;
	v1 =	vld [tilespmem:s22+$0x8B60]  }
0x122: {  	[tilespmem:s22+$0xB330] =	vst v0;
	v0 =	vsub.f32 v3, v4;
	v3 =	vld [tilespmem:s22+$0x8B70]  }
0x123: {  	v4 =	vld [tilespmem:s22+$0x6370]  }
0x124: {  	[tilespmem:s22+$0xB340] =	vst v0;
	v0 =	vsub.f32 v2, v5;
	v2 =	vld [tilespmem:s22+$0x8B80]  }
0x125: {  	v5 =	vld [tilespmem:s22+$0x6380]  }
0x126: {  	[tilespmem:s22+$0xB350] =	vst v0;
	v0 =	vsub.f32 v1, v6;
	v1 =	vld [tilespmem:s22+$0x8B90]  }
0x127: {  	v6 =	vld [tilespmem:s22+$0x6390]  }
0x128: {  	[tilespmem:s22+$0xB360] =	vst v0;
	v0 =	vsub.f32 v3, v4;
	v3 =	vld [tilespmem:s22+$0x8BA0]  }
0x129: {  	v4 =	vld [tilespmem:s22+$0x63A0]  }
0x12a: {  	[tilespmem:s22+$0xB370] =	vst v0;
	v0 =	vsub.f32 v2, v5;
	v2 =	vld [tilespmem:s22+$0x8BB0]  }
0x12b: {  	v5 =	vld [tilespmem:s22+$0x63B0]  }
0x12c: {  	[tilespmem:s22+$0xB380] =	vst v0;
	v0 =	vsub.f32 v1, v6;
	v1 =	vld [tilespmem:s22+$0x8BC0]  }
0x12d: {  	v6 =	vld [tilespmem:s22+$0x63C0]  }
0x12e: {  	[tilespmem:s22+$0xB390] =	vst v0;
	v0 =	vsub.f32 v3, v4;
	v3 =	vld [tilespmem:s22+$0x8BD0]  }
0x12f: {  	v4 =	vld [tilespmem:s22+$0x63D0]  }
0x130: {  	[tilespmem:s22+$0xB3A0] =	vst v0;
	v0 =	vsub.f32 v2, v5;
	v2 =	vld [tilespmem:s22+$0x8BE0]  }
0x131: {  	v5 =	vld [tilespmem:s22+$0x63E0]  }
0x132: {  	[tilespmem:s22+$0xB3B0] =	vst v0;
	v0 =	vsub.f32 v1, v6;
	v1 =	vld [tilespmem:s22+$0x8BF0]  }
0x133: {  	v6 =	vld [tilespmem:s22+$0x63F0]  }
0x134: {  	[tilespmem:s22+$0xB3C0] =	vst v0;
	v0 =	vsub.f32 v3, v4;
	v3 =	vld [tilespmem:s22+$0x8C00]  }
0x135: {  	v4 =	vld [tilespmem:s22+$0x6400]  }
0x136: {  	[tilespmem:s22+$0xB3D0] =	vst v0;
	v0 =	vsub.f32 v2, v5;
	v2 =	vld [tilespmem:s22+$0x8C10]  }
0x137: {  	v5 =	vld [tilespmem:s22+$0x6410]  }
0x138: {  	[tilespmem:s22+$0xB3E0] =	vst v0;
	v0 =	vsub.f32 v1, v6;
	v1 =	vld [tilespmem:s22+$0x8C20]  }
0x139: {  	v6 =	vld [tilespmem:s22+$0x6420]  }
0x13a: {  	[tilespmem:s22+$0xB3F0] =	vst v0;
	v0 =	vsub.f32 v3, v4;
	v3 =	vld [tilespmem:s22+$0x8C30]  }
0x13b: {  	v4 =	vld [tilespmem:s22+$0x6430]  }
0x13c: {  	[tilespmem:s22+$0xB400] =	vst v0;
	v0 =	vsub.f32 v2, v5;
	v2 =	vld [tilespmem:s22+$0x8C40]  }
0x13d: {  	v5 =	vld [tilespmem:s22+$0x6440]  }
0x13e: {  	[tilespmem:s22+$0xB410] =	vst v0;
	v0 =	vsub.f32 v1, v6;
	v1 =	vld [tilespmem:s22+$0x8C50]  }
0x13f: {  	v6 =	vld [tilespmem:s22+$0x6450]  }
0x140: {  	[tilespmem:s22+$0xB420] =	vst v0;
	v0 =	vsub.f32 v3, v4;
	v3 =	vld [tilespmem:s22+$0x8C60]  }
0x141: {  	v4 =	vld [tilespmem:s22+$0x6460]  }
0x142: {  	[tilespmem:s22+$0xB430] =	vst v0;
	v0 =	vsub.f32 v2, v5;
	v2 =	vld [tilespmem:s22+$0x8C70]  }
0x143: {  	v5 =	vld [tilespmem:s22+$0x6470]  }
0x144: {  	[tilespmem:s22+$0xB440] =	vst v0;
	v0 =	vsub.f32 v1, v6;
	v1 =	vld [tilespmem:s22+$0x8C80]  }
0x145: {  	v6 =	vld [tilespmem:s22+$0x6480]  }
0x146: {  	[tilespmem:s22+$0xB450] =	vst v0;
	v0 =	vsub.f32 v3, v4;
	v3 =	vld [tilespmem:s22+$0x8C90]  }
0x147: {  	v4 =	vld [tilespmem:s22+$0x6490]  }
0x148: {  	[tilespmem:s22+$0xB460] =	vst v0;
	v0 =	vsub.f32 v2, v5;
	v2 =	vld [tilespmem:s22+$0x8CA0]  }
0x149: {  	v5 =	vld [tilespmem:s22+$0x64A0]  }
0x14a: {  	[tilespmem:s22+$0xB470] =	vst v0;
	v0 =	vsub.f32 v1, v6;
	v1 =	vld [tilespmem:s22+$0x8CB0]  }
0x14b: {  	v6 =	vld [tilespmem:s22+$0x64B0]  }
0x14c: {  	v8 =	vld [tilespmem:s22+$0x64C0]  }
0x14d: {  	v7 =	vld [tilespmem:s22+$0x8CC0];
	[tilespmem:s22+$0xB480] =	vst v0;
	v0 =	vsub.f32 v3, v4  }
0x14e: {  	v3 =	vld [tilespmem:s22+$0x64D0]  }
0x14f: {  	[tilespmem:s22+$0xB490] =	vst v0;
	v0 =	vsub.f32 v2, v5;
	v2 =	vld [tilespmem:s22+$0x8CD0]  }
0x150: {  	v4 =	vld [tilespmem:s22+$0x64E0];
	v5 =	vsub.f32 v1, v6  }
0x151: {  	s7 =	simm.s32 $0x200;
	[tilespmem:s22+$0xB4A0] =	vst v0;
	v0 =	vld [tilespmem:s22+$0x8CE0]  }
0x152: {  	s12 =	simm.s32 $0x1000;
	v1 =	vld [tilespmem:s7+$0x8CF0];
	[tilespmem:s22+$0xB4B0] =	vst v5;
	v5 =	vsub.f32 v7, v8  }
.LBB2_5:
0x153: {  	p1 =	sne.s32 s12, $0x4800;
	v6 =	vld [tilespmem:s7+$0x64F0]  }
0x154: {  	v7 =	vld [tilespmem:s7+$0x8B00];
	[tilespmem:s22+$0xB4C0] =	vst v5;
	v2 =	vsub.f32 v2, v3  }
0x155: {  	v3 =	vld [tilespmem:s7+$0x6300]  }
0x156: {  	v5 =	vld [tilespmem:s7+$0x8B10];
	[tilespmem:s22+$0xB4D0] =	vst v2;
	v0 =	vsub.f32 v0, v4  }
0x157: {  	v2 =	vld [tilespmem:s7+$0x6310]  }
0x158: {  	v4 =	vld [tilespmem:s7+$0x8B20];
	v1 =	vsub.f32 v1, v6;
	[tilespmem:s22+$0xB4E0] =	vst v0;
	s22 =	smov.u32 s7  }
0x159: {  	v0 =	vld [tilespmem:s22+$0x6320]  }
0x15a: {  	v3 =	vsub.f32 v7, v3;
	v6 =	vld [tilespmem:s22+$0x8B30];
	[tilespmem:s22+$0xB4F0] =	vst v1  }
0x15b: {  	v1 =	vld [tilespmem:s22+$0x6330]  }
0x15c: {  	[tilespmem:s22+$0xB300] =	vst v3;
	v2 =	vsub.f32 v5, v2;
	v3 =	vld [tilespmem:s22+$0x8B40]  }
0x15d: {  	v5 =	vld [tilespmem:s22+$0x6340]  }
0x15e: {  	[tilespmem:s22+$0xB310] =	vst v2;
	v0 =	vsub.f32 v4, v0;
	v2 =	vld [tilespmem:s22+$0x8B50]  }
0x15f: {  	v4 =	vld [tilespmem:s22+$0x6350]  }
0x160: {  	[tilespmem:s22+$0xB320] =	vst v0;
	v0 =	vsub.f32 v6, v1;
	v1 =	vld [tilespmem:s22+$0x8B60]  }
0x161: {  	v6 =	vld [tilespmem:s22+$0x6360]  }
0x162: {  	[tilespmem:s22+$0xB330] =	vst v0;
	v0 =	vsub.f32 v3, v5;
	v3 =	vld [tilespmem:s22+$0x8B70]  }
0x163: {  	v5 =	vld [tilespmem:s22+$0x6370]  }
0x164: {  	[tilespmem:s22+$0xB340] =	vst v0;
	v0 =	vsub.f32 v2, v4;
	v2 =	vld [tilespmem:s22+$0x8B80]  }
0x165: {  	v4 =	vld [tilespmem:s22+$0x6380]  }
0x166: {  	[tilespmem:s22+$0xB350] =	vst v0;
	v0 =	vsub.f32 v1, v6;
	v1 =	vld [tilespmem:s22+$0x8B90]  }
0x167: {  	v6 =	vld [tilespmem:s22+$0x6390]  }
0x168: {  	[tilespmem:s22+$0xB360] =	vst v0;
	v0 =	vsub.f32 v3, v5;
	v3 =	vld [tilespmem:s22+$0x8BA0]  }
0x169: {  	v5 =	vld [tilespmem:s22+$0x63A0]  }
0x16a: {  	[tilespmem:s22+$0xB370] =	vst v0;
	v0 =	vsub.f32 v2, v4;
	v2 =	vld [tilespmem:s22+$0x8BB0]  }
0x16b: {  	v4 =	vld [tilespmem:s22+$0x63B0]  }
0x16c: {  	[tilespmem:s22+$0xB380] =	vst v0;
	v0 =	vsub.f32 v1, v6;
	v1 =	vld [tilespmem:s22+$0x8BC0]  }
0x16d: {  	v6 =	vld [tilespmem:s22+$0x63C0]  }
0x16e: {  	[tilespmem:s22+$0xB390] =	vst v0;
	v0 =	vsub.f32 v3, v5;
	v3 =	vld [tilespmem:s22+$0x8BD0]  }
0x16f: {  	v5 =	vld [tilespmem:s22+$0x63D0]  }
0x170: {  	[tilespmem:s22+$0xB3A0] =	vst v0;
	v0 =	vsub.f32 v2, v4;
	v2 =	vld [tilespmem:s22+$0x8BE0]  }
0x171: {  	v4 =	vld [tilespmem:s22+$0x63E0]  }
0x172: {  	[tilespmem:s22+$0xB3B0] =	vst v0;
	v0 =	vsub.f32 v1, v6;
	v1 =	vld [tilespmem:s22+$0x8BF0]  }
0x173: {  	v6 =	vld [tilespmem:s22+$0x63F0]  }
0x174: {  	[tilespmem:s22+$0xB3C0] =	vst v0;
	v0 =	vsub.f32 v3, v5;
	v3 =	vld [tilespmem:s22+$0x8C00]  }
0x175: {  	v5 =	vld [tilespmem:s22+$0x6400]  }
0x176: {  	[tilespmem:s22+$0xB3D0] =	vst v0;
	v0 =	vsub.f32 v2, v4;
	v2 =	vld [tilespmem:s22+$0x8C10]  }
0x177: {  	v4 =	vld [tilespmem:s22+$0x6410]  }
0x178: {  	[tilespmem:s22+$0xB3E0] =	vst v0;
	v0 =	vsub.f32 v1, v6;
	v1 =	vld [tilespmem:s22+$0x8C20]  }
0x179: {  	v6 =	vld [tilespmem:s22+$0x6420]  }
0x17a: {  	[tilespmem:s22+$0xB3F0] =	vst v0;
	v0 =	vsub.f32 v3, v5;
	v3 =	vld [tilespmem:s22+$0x8C30]  }
0x17b: {  	v5 =	vld [tilespmem:s22+$0x6430]  }
0x17c: {  	[tilespmem:s22+$0xB400] =	vst v0;
	v0 =	vsub.f32 v2, v4;
	v2 =	vld [tilespmem:s22+$0x8C40]  }
0x17d: {  	v4 =	vld [tilespmem:s22+$0x6440]  }
0x17e: {  	[tilespmem:s22+$0xB410] =	vst v0;
	v0 =	vsub.f32 v1, v6;
	v1 =	vld [tilespmem:s22+$0x8C50]  }
0x17f: {  	v6 =	vld [tilespmem:s22+$0x6450]  }
0x180: {  	[tilespmem:s22+$0xB420] =	vst v0;
	v0 =	vsub.f32 v3, v5;
	v3 =	vld [tilespmem:s22+$0x8C60]  }
0x181: {  	v5 =	vld [tilespmem:s22+$0x6460]  }
0x182: {  	[tilespmem:s22+$0xB430] =	vst v0;
	v0 =	vsub.f32 v2, v4;
	v2 =	vld [tilespmem:s22+$0x8C70]  }
0x183: {  	v4 =	vld [tilespmem:s22+$0x6470]  }
0x184: {  	[tilespmem:s22+$0xB440] =	vst v0;
	v0 =	vsub.f32 v1, v6;
	v1 =	vld [tilespmem:s22+$0x8C80]  }
0x185: {  	v6 =	vld [tilespmem:s22+$0x6480]  }
0x186: {  	[tilespmem:s22+$0xB450] =	vst v0;
	v0 =	vsub.f32 v3, v5;
	v3 =	vld [tilespmem:s22+$0x8C90]  }
0x187: {  	v5 =	vld [tilespmem:s22+$0x6490]  }
0x188: {  	[tilespmem:s22+$0xB460] =	vst v0;
	v0 =	vsub.f32 v2, v4;
	v2 =	vld [tilespmem:s22+$0x8CA0]  }
0x189: {  	v4 =	vld [tilespmem:s22+$0x64A0]  }
0x18a: {  	[tilespmem:s22+$0xB470] =	vst v0;
	v0 =	vsub.f32 v1, v6;
	v1 =	vld [tilespmem:s22+$0x8CB0]  }
0x18b: {  	v6 =	vld [tilespmem:s22+$0x64B0]  }
0x18c: {  	[tilespmem:s22+$0xB480] =	vst v0;
	v0 =	vsub.f32 v3, v5;
	v5 =	vld [tilespmem:s22+$0x8CC0]  }
0x18d: {  	v7 =	vld [tilespmem:s22+$0x64C0]  }
.Ltmp3:
0x18e: {  	[tilespmem:s22+$0xB490] =	vst v0;
	v0 =	vsub.f32 v2, v4;
	v2 =	vld [tilespmem:s22+$0x8CD0];
	(pc) =	sbr.rel @p1 .LBB2_5-.Ltmp3, $4  }
0x18f: {  	v3 =	vld [tilespmem:s22+$0x64D0]  }
0x190: {  	[tilespmem:s22+$0xB4A0] =	vst v0;
	v6 =	vsub.f32 v1, v6;
	v0 =	vld [tilespmem:s22+$0x8CE0]  }
0x191: {  	s7 =	sshra.s32 s12, $0x2;
	v4 =	vld [tilespmem:s22+$0x64E0]  }
0x192: {  	s12 =	sadd.s32 $0x800, s12;
	v1 =	vld [tilespmem:s7+$0x8CF0];
	[tilespmem:s22+$0xB4B0] =	vst v6;
	v5 =	vsub.f32 v5, v7  }
0x193: {  	v6 =	vld [tilespmem:s7+$0x64F0]  }
0x194: {  	v7 =	vld [tilespmem:s7+$0x8B00];
	[tilespmem:s22+$0xB4C0] =	vst v5;
	v2 =	vsub.f32 v2, v3  }
0x195: {  	v35 =	vld [tilespmem:s7+$0x6300]  }
0x196: {  	v5 =	vld [tilespmem:s7+$0x8B10];
	[tilespmem:s22+$0xB4D0] =	vst v2;
	v0 =	vsub.f32 v0, v4  }
0x197: {  	v2 =	vld [tilespmem:s7+$0x6310]  }
0x198: {  	v36 =	vld [tilespmem:s7+$0x8B20];
	[tilespmem:s22+$0xB4E0] =	vst v0  }
0x199: {  	v38 =	vld [tilespmem:s7+$0x6320]  }
0x19a: {  	v39 =	vld [tilespmem:s7+$0x8B30]  }
0x19b: {  	v40 =	vld [tilespmem:s7+$0x6330]  }
0x19c: {  	v41 =	vld [tilespmem:s7+$0x8B40]  }
0x19d: {  	v42 =	vld [tilespmem:s7+$0x6340]  }
0x19e: {  	v43 =	vld [tilespmem:s7+$0x8B50]  }
0x19f: {  	v44 =	vld [tilespmem:s7+$0x6350]  }
0x1a0: {  	v45 =	vld [tilespmem:s7+$0x8B60]  }
0x1a1: {  	v46 =	vld [tilespmem:s7+$0x6360]  }
0x1a2: {  	v48 =	vld [tilespmem:s7+$0x8B70]  }
0x1a3: {  	v49 =	vld [tilespmem:s7+$0x6370]  }
0x1a4: {  	v51 =	vld [tilespmem:s7+$0x8B80]  }
0x1a5: {  	v52 =	vld [tilespmem:s7+$0x6380]  }
0x1a6: {  	v54 =	vld [tilespmem:s7+$0x8B90]  }
0x1a7: {  	v55 =	vld [tilespmem:s7+$0x6390]  }
0x1a8: {  	v57 =	vld [tilespmem:s7+$0x8BA0]  }
0x1a9: {  	v58 =	vld [tilespmem:s7+$0x63A0]  }
0x1aa: {  	v60 =	vld [tilespmem:s7+$0x8BB0]  }
0x1ab: {  	v61 =	vld [tilespmem:s7+$0x63B0]  }
0x1ac: {  	v63 =	vld [tilespmem:s7+$0x8BC0]  }
0x1ad: {  	v9 =	vld [tilespmem:s7+$0x63C0]  }
0x1ae: {  	v11 =	vld [tilespmem:s7+$0x8BD0]  }
0x1af: {  	v12 =	vld [tilespmem:s7+$0x63D0]  }
0x1b0: {  	v14 =	vld [tilespmem:s7+$0x8BE0]  }
0x1b1: {  	v15 =	vld [tilespmem:s7+$0x63E0]  }
0x1b2: {  	v17 =	vld [tilespmem:s7+$0x8BF0]  }
0x1b3: {  	v18 =	vld [tilespmem:s7+$0x63F0]  }
0x1b4: {  	v20 =	vld [tilespmem:s7+$0x8C00]  }
0x1b5: {  	v21 =	vld [tilespmem:s7+$0x6400]  }
0x1b6: {  	v23 =	vld [tilespmem:s7+$0x8C10]  }
0x1b7: {  	v37 =	vsub.f32 v1, v6;
	v24 =	vld [tilespmem:s7+$0x6410]  }
0x1b8: {  	v26 =	vld [tilespmem:s7+$0x8C20];
	v3 =	vsub.f32 v7, v35  }
0x1b9: {  	v27 =	vld [tilespmem:s7+$0x6420];
	[tilespmem:s7+$0xB4F0] =	vst v37;
	v2 =	vsub.f32 v5, v2  }
0x1ba: {  	v29 =	vld [tilespmem:s7+$0x8C30];
	[tilespmem:s7+$0xB300] =	vst v3;
	v1 =	vsub.f32 v36, v38  }
0x1bb: {  	v30 =	vld [tilespmem:s7+$0x6430];
	[tilespmem:s7+$0xB310] =	vst v2;
	v0 =	vsub.f32 v39, v40  }
0x1bc: {  	v32 =	vld [tilespmem:s7+$0x8C40];
	v47 =	vsub.f32 v41, v42;
	[tilespmem:s7+$0xB320] =	vst v1  }
0x1bd: {  	v33 =	vld [tilespmem:s7+$0x6440];
	v50 =	vsub.f32 v43, v44;
	[tilespmem:s7+$0xB330] =	vst v0  }
0x1be: {  	v35 =	vld [tilespmem:s7+$0x8C50];
	v53 =	vsub.f32 v45, v46;
	[tilespmem:s7+$0xB340] =	vst v47  }
0x1bf: {  	v56 =	vsub.f32 v48, v49;
	v36 =	vld [tilespmem:s7+$0x6450];
	[tilespmem:s7+$0xB350] =	vst v50  }
0x1c0: {  	v59 =	vsub.f32 v51, v52;
	v38 =	vld [tilespmem:s7+$0x8C60];
	[tilespmem:s7+$0xB360] =	vst v53  }
0x1c1: {  	v62 =	vsub.f32 v54, v55;
	v39 =	vld [tilespmem:s7+$0x6460];
	[tilespmem:s7+$0xB370] =	vst v56  }
0x1c2: {  	v10 =	vsub.f32 v57, v58;
	v41 =	vld [tilespmem:s7+$0x8C70];
	[tilespmem:s7+$0xB380] =	vst v59  }
0x1c3: {  	v13 =	vsub.f32 v60, v61;
	v42 =	vld [tilespmem:s7+$0x6470];
	[tilespmem:s7+$0xB390] =	vst v62  }
0x1c4: {  	v16 =	vsub.f32 v63, v9;
	v44 =	vld [tilespmem:s7+$0x8C80];
	[tilespmem:s7+$0xB3A0] =	vst v10  }
0x1c5: {  	v19 =	vsub.f32 v11, v12;
	v45 =	vld [tilespmem:s7+$0x6480];
	[tilespmem:s7+$0xB3B0] =	vst v13  }
0x1c6: {  	v22 =	vsub.f32 v14, v15;
	v48 =	vld [tilespmem:s7+$0x6490];
	[tilespmem:s7+$0xB3C0] =	vst v16  }
0x1c7: {  	v25 =	vsub.f32 v17, v18;
	v51 =	vld [tilespmem:s7+$0x64A0];
	[tilespmem:s7+$0xB3D0] =	vst v19  }
0x1c8: {  	v28 =	vsub.f32 v20, v21;
	v54 =	vld [tilespmem:s7+$0x64B0];
	[tilespmem:s7+$0xB3E0] =	vst v22  }
0x1c9: {  	v31 =	vsub.f32 v23, v24;
	v57 =	vld [tilespmem:s7+$0x64C0];
	[tilespmem:s7+$0xB3F0] =	vst v25  }
0x1ca: {  	v34 =	vsub.f32 v26, v27;
	v60 =	vld [tilespmem:s7+$0x64D0];
	[tilespmem:s7+$0xB400] =	vst v28  }
0x1cb: {  	v37 =	vsub.f32 v29, v30;
	v61 =	vld [tilespmem:s7+$0x8CE0];
	[tilespmem:s7+$0xB410] =	vst v31  }
0x1cc: {  	v40 =	vsub.f32 v32, v33;
	[tilespmem:s7+$0xB420] =	vst v34;
	v47 =	vld [tilespmem:s7+$0x8C90]  }
0x1cd: {  	[tilespmem:s7+$0xB430] =	vst v37;
	v50 =	vld [tilespmem:s7+$0x8CA0];
	v43 =	vsub.f32 v35, v36  }
0x1ce: {  	[tilespmem:s7+$0xB440] =	vst v40;
	v53 =	vld [tilespmem:s7+$0x8CB0];
	v46 =	vsub.f32 v38, v39  }
0x1cf: {  	v56 =	vld [tilespmem:s7+$0x8CC0];
	v49 =	vsub.f32 v41, v42;
	[tilespmem:s7+$0xB450] =	vst v43  }
0x1d0: {  	v59 =	vld [tilespmem:s7+$0x8CD0];
	v52 =	vsub.f32 v44, v45;
	[tilespmem:s7+$0xB460] =	vst v46  }
0x1d1: {  	v62 =	vld [tilespmem:s7+$0x64E0];
	[tilespmem:s7+$0xB470] =	vst v49;
	v55 =	vsub.f32 v47, v48  }
0x1d2: {  	[tilespmem:s7+$0xB480] =	vst v52;
	v58 =	vsub.f32 v50, v51  }
0x1d3: {  	v1 =	vsub.f32 v53, v54;
	[tilespmem:s7+$0xB490] =	vst v55  }
0x1d4: {  	v3 =	vsub.f32 v56, v57;
	[tilespmem:s7+$0xB4A0] =	vst v58  }
.Ltmp4:
0x1d5: {  	v63 =	vsub.f32 v59, v60;
	[tilespmem:s7+$0xB4B0] =	vst v1;
	(pc) =	sbr.rel @p2 .LBB2_8-.Ltmp4, $4  }
0x1d6: {  	s12 =	sadd.s32 s20, s10;
	v0 =	vsub.f32 v61, v62;
	[tilespmem:s7+$0xB4C0] =	vst v3  }
0x1d7: {  	s12 =	sshll.u32 s12, $0x4;
	[tilespmem:s7+$0xB4D0] =	vst v63  }
0x1d8: {  	s22 =	sadd.s32 s2, s12;
	[tilespmem:s7+$0xB4E0] =	vst v0  }
0x1d9: {  	[hbm4b:s22+s4] =	stream.linear.scatter [tilespmem:s30], [sflag:$0x8], $0x1400, $0x38;
	[tilespmem:$0x1FF80] =	vst v63  }
.Ltmp5:
0x1da: {  	(pc) =	sbr.rel .LBB2_2-.Ltmp5, $4  }
0x1db: {  	s7 =	sadd.s32 $0x78, s20  }
0x1dc: {  	[tilespmem:s21], [sflag:$0x4] =	stream.indirect.gather [spmem:s3], $0x80, s7, s18, $0xb8;
	[tilespmem:$0x1FF80] =	vst v63  }
0x1dd: {  	s22 =	sadd.s32 $0x27F8, s20;
	s19 =	sadd.s32 $0x1, s19  }
0x1de: {  	[tilespmem:s23], [sflag:$0x6] =	stream.indirect.gather [spmem:s3], $0x80, s22, s18, $0xb8;
	[tilespmem:$0x1FF80] =	vst v63  }
.LBB2_9:
0x1df: {  	_ =	sfence.sel $0x180000  }
0x1e0: {  	[bflag:$0x0] =	sbarrier.arrive $0xFFFF  }
0x1e1: {  	_ =	strace $0x90000047  }
0x1e2: {  	s0 =	stileid.u32;
	[bflag:$0x2] =	sbarrier.arrive $0xFFFF  }
0x1e3: {  	p0 =	sne.s32 s0, $0x0;
	s0 =	rddreg [dreg:$0x4]  }
0x1e4: {  	s0 =	sadd.s32 @!p0 $0x100000, s0  }
0x1e5: {  	[sflag:s0] =	ssyncadd.tile.s32 @!p0 $0x1;
	_ =	shalt  }
.Lfunc_end2:
_tile_overlayer_lowered:
.L_overlay_start_2:
0x1e6: {  	(tag) =	ssettag $0x2  }
0x1e7: {  	s0 =	rddreg [dreg:$0x0];
	s2 =	stileid.u32  }
0x1e8: {  	s1 =	rddreg [dreg:$0x1];
	p0 =	sne.s32 s2, $0x0  }
0x1e9: {  	s3 =	rddreg [dreg:$0x2];
	[bflag:$0x3] =	sbarrier.arrive $0xFFFF;
	s2 =	simm.s32 @!p0 $0x1C09  }
0x1ea: {  	[timem:s3], [sflag:s2] =	dma.local @!p0 [hbm:s0], s1  }
0x1eb: {  	s0 =	simm.s32 @!p0 $0x9  }
0x1ec: {  	_ =	swait.ge @!p0 [sflag:s0], s1  }
0x1ed: {  	s1 =	ssub.s32 @!p0 $0x0, s1;
	[sflag:s0] =	ssyncset.done @!p0 $0x0  }
0x1ee: {  	[sflag:s0] =	ssyncadd.s32 @!p0 s1  }
0x1ef: {  	[bflag:$0x3] =	sbarrier.arrive $0xFFFF  }
0x1f0: {  	_ =	shalt  }

</sc_bundles>
